<compile_context>
chip_gen: v7x
topology: tpu7x:2x2x1
jax: 0.10.2.dev20260603
libtpu: 0.0.44.dev20260713+nightly
codegen_flags: <defaults>
</compile_context>

<pallas_src>
import functools

import jax
import jax.numpy as jnp
from jax import lax
from jax.experimental import pallas as pl
from jax.experimental.pallas import tpu as pltpu
from jax.experimental.pallas import tpu_sc as plsc

N_NODES = 10000
N_PAD = 10240
D = 128
E = 320000
NC = 2
NS = 16
K = 128
ROWS = E // K
HALF = N_PAD // NC
ACC_R = HALF + 128
ZR = ACC_R // NS
XR = HALF // NS


def _sc_agg_body(ei3, y, zeros, out, sdv, idxv, rowsv, acc, gsem):
    c = lax.axis_index("c")
    s = lax.axis_index("s")

    pltpu.sync_copy(zeros, acc.at[pl.ds(s * ZR, ZR)])
    plsc.subcore_barrier()

    base = c * HALF

    @pl.loop(s, ROWS, step=NS)
    def _edges(j):
        pltpu.sync_copy(ei3.at[j], sdv)
        gat = pltpu.async_copy(y.at[sdv.at[0]], rowsv, gsem)
        for q in range(K // 16):
            d = sdv[1, pl.ds(q * 16, 16)] - base
            ok = (d >= 0) & (d < HALF)
            idxv[pl.ds(q * 16, 16)] = jnp.where(ok, d, HALF)
        gat.wait()
        pltpu.sync_copy(rowsv, acc.at[idxv], add=True)

    plsc.subcore_barrier()
    pltpu.sync_copy(acc.at[pl.ds(s * XR, XR)], out.at[c, pl.ds(s * XR, XR)])


_sc_agg = functools.partial(
    pl.kernel,
    out_type=jax.ShapeDtypeStruct((NC, HALF, D), jnp.float32),
    mesh=plsc.VectorSubcoreMesh(
        core_axis_name="c", subcore_axis_name="s", num_cores=NC, num_subcores=NS
    ),
    scratch_types=[
        pltpu.VMEM((2, K), jnp.int32),
        pltpu.VMEM((K,), jnp.int32),
        pltpu.VMEM((K, D), jnp.float32),
        pltpu.VMEM_SHARED((ACC_R, D), jnp.float32),
        pltpu.SemaphoreType.DMA,
    ],
)(_sc_agg_body)


def _mm_body(x_ref, w_ref, o_ref):
    o_ref[...] = jnp.dot(x_ref[...], w_ref[...], preferred_element_type=jnp.float32)


def _matmul(x, w, bn=1024):
    n, d_in = x.shape
    d_out = w.shape[1]
    return pl.pallas_call(
        _mm_body,
        grid=(n // bn,),
        in_specs=[
            pl.BlockSpec((bn, d_in), lambda i: (i, 0)),
            pl.BlockSpec((d_in, d_out), lambda i: (0, 0)),
        ],
        out_specs=pl.BlockSpec((bn, d_out), lambda i: (i, 0)),
        out_shape=jax.ShapeDtypeStruct((n, d_out), jnp.float32),
    )(x, w)


def _fused_body(eps_ref, y_ref, a_ref, ba_ref, wb_ref, bb_ref, wn_ref, o_ref):
    t = (1.0 + eps_ref[0]) * y_ref[...] + a_ref[...] + ba_ref[...]
    t = jnp.maximum(t, 0.0)
    h = jnp.dot(t, wb_ref[...], preferred_element_type=jnp.float32) + bb_ref[...]
    h = jnp.maximum(h, 0.0)
    o_ref[...] = jnp.dot(h, wn_ref[...], preferred_element_type=jnp.float32)


def _final_body(eps_ref, y_ref, a_ref, ba_ref, wb_ref, bb_ref, o_ref):
    t = (1.0 + eps_ref[0]) * y_ref[...] + a_ref[...] + ba_ref[...]
    t = jnp.maximum(t, 0.0)
    o_ref[...] = jnp.dot(t, wb_ref[...], preferred_element_type=jnp.float32) + bb_ref[...]


def _stage_mid(eps, y, a, ba, wb, bb, wn, bn=1024):
    n = y.shape[0]
    row = lambda i: (i, 0)
    fixed = lambda i: (0, 0)
    return pl.pallas_call(
        _fused_body,
        grid=(n // bn,),
        in_specs=[
            pl.BlockSpec(memory_space=pltpu.SMEM),
            pl.BlockSpec((bn, D), row),
            pl.BlockSpec((bn, D), row),
            pl.BlockSpec((1, D), fixed),
            pl.BlockSpec((D, D), fixed),
            pl.BlockSpec((1, D), fixed),
            pl.BlockSpec((D, D), fixed),
        ],
        out_specs=pl.BlockSpec((bn, D), row),
        out_shape=jax.ShapeDtypeStruct((n, D), jnp.float32),
    )(eps, y, a, ba, wb, bb, wn)


def _stage_final(eps, y, a, ba, wb, bb, bn=1024):
    n = y.shape[0]
    row = lambda i: (i, 0)
    fixed = lambda i: (0, 0)
    return pl.pallas_call(
        _final_body,
        grid=(n // bn,),
        in_specs=[
            pl.BlockSpec(memory_space=pltpu.SMEM),
            pl.BlockSpec((bn, D), row),
            pl.BlockSpec((bn, D), row),
            pl.BlockSpec((1, D), fixed),
            pl.BlockSpec((D, D), fixed),
            pl.BlockSpec((1, D), fixed),
        ],
        out_specs=pl.BlockSpec((bn, D), row),
        out_shape=jax.ShapeDtypeStruct((n, D), jnp.float32),
    )(eps, y, a, ba, wb, bb)


def kernel(x, edge_index, eps1, W1a, b1a, W1b, b1b, eps2, W2a, b2a, W2b, b2b):
    ei = edge_index.astype(jnp.int32)
    ei3 = jnp.transpose(ei.reshape(2, ROWS, K), (1, 0, 2))
    zeros = jnp.zeros((ZR, D), jnp.float32)
    e1 = jnp.reshape(eps1, (1,))
    e2 = jnp.reshape(eps2, (1,))
    b1a_ = jnp.reshape(b1a, (1, D))
    b1b_ = jnp.reshape(b1b, (1, D))
    b2a_ = jnp.reshape(b2a, (1, D))
    b2b_ = jnp.reshape(b2b, (1, D))

    xp = jnp.pad(x, ((0, N_PAD - N_NODES), (0, 0)))
    y1 = _matmul(xp, W1a)
    a1 = _sc_agg(ei3, y1, zeros).reshape(N_PAD, D)
    y2 = _stage_mid(e1, y1, a1, b1a_, W1b, b1b_, W2a)
    a2 = _sc_agg(ei3, y2, zeros).reshape(N_PAD, D)
    out = _stage_final(e2, y2, a2, b2a_, W2b, b2b_)
    return out[:N_NODES]

# --- scband reference (transcript-rebuilt; emitter-appended) ---
"""Pipeline reference for scband-gin-66915590472234 (READ-ONLY COPY).

The authoritative reference and input builder live on the scoring server;
editing this copy changes nothing except your own understanding.
"""

import jax, jax.numpy as jnp
import numpy as np

N_NODES = 10000
N_EDGES = 320000
D_IN = 128
D_HID = 128
D_OUT = 128


def _linear_init(key, fan_in, fan_out):
    k1, k2 = jax.random.split(key)
    bound = 1.0 / np.sqrt(fan_in)
    W = jax.random.uniform(k1, (fan_in, fan_out), minval=-bound, maxval=bound, dtype=jnp.float32)
    b = jax.random.uniform(k2, (fan_out,), minval=-bound, maxval=bound, dtype=jnp.float32)
    return W, b


def setup_inputs(seed: int = 0) -> dict:
    key = jax.random.key(seed)
    ks = jax.random.split(key, 8)
    x = jax.random.normal(ks[0], (N_NODES, D_IN), dtype=jnp.float32)
    edge_index = jax.random.randint(ks[1], (2, N_EDGES), 0, N_NODES, dtype=jnp.int64 if jax.config.read('jax_enable_x64') else jnp.int32)
    W1a, b1a = _linear_init(ks[2], D_IN, D_HID)
    W1b, b1b = _linear_init(ks[3], D_HID, D_HID)
    W2a, b2a = _linear_init(ks[4], D_HID, D_HID)
    W2b, b2b = _linear_init(ks[5], D_HID, D_OUT)
    eps1 = jnp.zeros((), dtype=jnp.float32)
    eps2 = jnp.zeros((), dtype=jnp.float32)
    return {"x": x, "edge_index": edge_index, "eps1": eps1, "W1a": W1a, "b1a": b1a, "W1b": W1b, "b1b": b1b, "eps2": eps2, "W2a": W2a, "b2a": b2a, "W2b": W2b, "b2b": b2b}


def _gin_conv(x, src, dst, eps, Wa, ba, Wb, bb, num_nodes):
    # GINConv: nn((1 + eps) * x + sum_{j in N(i)} x_j), sum aggregation at dst
    agg = jax.ops.segment_sum(jnp.take(x, src, axis=0), dst, num_segments=num_nodes)
    h = (1.0 + eps) * x + agg
    h = jnp.maximum(h @ Wa + ba, 0.0)
    h = h @ Wb + bb
    return h


def reference(x, edge_index, eps1, W1a, b1a, W1b, b1b, eps2, W2a, b2a, W2b, b2b):
    src = edge_index[0]
    dst = edge_index[1]
    n = x.shape[0]
    h = _gin_conv(x, src, dst, eps1, W1a, b1a, W1b, b1b, n)
    h = jnp.maximum(h, 0.0)  # F.relu
    # F.dropout in eval mode is identity (deterministic reference)
    out = _gin_conv(h, src, dst, eps2, W2a, b2a, W2b, b2b, n)
    return out

if __name__ == "__main__":
    import jax
    _d = setup_inputs()
    print(jax.jit(kernel)(*tuple(_d.values())))

</pallas_src>

<mosaic_0001>
#map = affine_map<(d0, d1) -> (0, 0, 0)>
#map1 = affine_map<(d0, d1) -> (0, 0)>
module attributes {stable_mosaic.version = 14 : i64} {
  func.func @_sc_agg_body(%arg0: i32, %arg1: i32, %arg2: memref<2500x2x128xi32, #tpu.memory_space<hbm>>, %arg3: memref<10240x128xf32, #tpu.memory_space<hbm>>, %arg4: memref<328x128xf32, #tpu.memory_space<hbm>>, %arg5: memref<2x5120x128xf32, #tpu.memory_space<hbm>>, %arg6: memref<2x128xi32, #tpu.memory_space<vmem>>, %arg7: memref<128xi32, #tpu.memory_space<vmem>>, %arg8: memref<128x128xf32, #tpu.memory_space<vmem>>, %arg9: memref<5248x128xf32, #tpu.memory_space<vmem_shared>>, %arg10: memref<!tpu.dma_semaphore, #tpu.memory_space<semaphore_mem>>) attributes {dimension_semantics = [#tpu.dimension_semantics<core_parallel>, #tpu.dimension_semantics<subcore_parallel>], iteration_bounds = array<i64: 2, 16>, scalar_prefetch = 0 : i64, scratch_operands = 5 : i64, tpu.core_type = #tpu.core_type<sc_vector_subcore>, window_params = [{transform_indices = #map}, {transform_indices = #map1}, {transform_indices = #map1}, {transform_indices = #map}]} {
    %mul3A = arith.constant 328 : i32
    %mul3A_0 = arith.muli %arg1, %mul3A : i32
    "tpu.region"() ({
      %run_scoped3A = tpu.sem_alloc : memref<!tpu.dma_semaphore, #tpu.memory_space<semaphore_mem>>
      %dma_start3A = arith.constant 0 : i32
      %dma_start3A_22 = tpu.memref_slice %arg9[%mul3A_0, %dma_start3A] : memref<5248x128xf32, #tpu.memory_space<vmem_shared>> -> memref<328x128xf32, #tpu.memory_space<vmem_shared>>
      tpu.enqueue_dma source(%arg4 : memref<328x128xf32, #tpu.memory_space<hbm>>) target(%dma_start3A_22 : memref<328x128xf32, #tpu.memory_space<vmem_shared>>) target_semaphore(%run_scoped3A : memref<!tpu.dma_semaphore, #tpu.memory_space<semaphore_mem>>)
      %dma_wait3A = arith.constant 0 : i32
      %dma_wait3A_23 = tpu.memref_slice %arg9[%mul3A_0, %dma_wait3A] : memref<5248x128xf32, #tpu.memory_space<vmem_shared>> -> memref<328x128xf32, #tpu.memory_space<vmem_shared>>
      tpu.wait_dma2 semaphore(%run_scoped3A : memref<!tpu.dma_semaphore, #tpu.memory_space<semaphore_mem>>) src(%arg4 : memref<328x128xf32, #tpu.memory_space<hbm>>) dst(%dma_wait3A_23 : memref<328x128xf32, #tpu.memory_space<vmem_shared>>)
      tpu.yield
    }) : () -> ()
    %barrier3A = arith.constant 0 : index
    tpu.barrier barrier_id(%barrier3A)
    %mul3A_1 = arith.constant 5120 : i32
    %mul3A_2 = arith.muli %arg0, %mul3A_1 : i32
    %sub3A = arith.constant 2500 : i32
    %sub3A_3 = arith.subi %sub3A, %arg1 : i32
    %sub3A_4 = arith.constant 16 : i32
    %sub3A_5 = arith.constant 1 : i32
    %sub3A_6 = arith.subi %sub3A_4, %sub3A_5 : i32
    %add3A = arith.addi %sub3A_3, %sub3A_6 : i32
    %div3A = arith.constant 16 : i32
    %div3A_7 = arith.divsi %add3A, %div3A : i32
    %while3A = arith.constant 16 : i32
    %while3A_8 = arith.constant 0 : i32
    %while3A_9 = arith.subi %div3A_7, %while3A_8 : i32
    %while3A_10 = arith.addi %while3A_8, %while3A_9 : i32
    %while3A_11 = arith.constant 1 : i32
    %while3A_12 = arith.divsi %while3A_9, %while3A_11 : i32
    %while3A_13 = arith.muli %while3A_12, %while3A_11 : i32
    %while3A_14 = arith.addi %while3A_8, %while3A_13 : i32
    %while3A_15 = arith.constant 1 : i32
    scf.for %while3A_22 = %while3A_8 to %while3A_14 step %while3A_15  : i32 {
      %mul3A_23 = arith.muli %while3A_22, %while3A : i32
      %add3A_24 = arith.addi %arg1, %mul3A_23 : i32
      "tpu.region"() ({
        %run_scoped3A = tpu.sem_alloc : memref<!tpu.dma_semaphore, #tpu.memory_space<semaphore_mem>>
        %dma_start3A_197 = arith.constant 0 : i32
        %dma_start3A_198 = arith.constant 0 : i32
        %dma_start3A_199 = tpu.memref_slice %arg2[%add3A_24, %dma_start3A_197, %dma_start3A_198] : memref<2500x2x128xi32, #tpu.memory_space<hbm>> -> memref<1x2x128xi32, #tpu.memory_space<hbm>>
        %dma_start3A_200 = tpu.memref_squeeze %dma_start3A_199 : memref<1x2x128xi32, #tpu.memory_space<hbm>> -> memref<2x128xi32, #tpu.memory_space<hbm>>
        %dma_start3A_201 = arith.constant 0 : i32
        %dma_start3A_202 = arith.constant 0 : i32
        %dma_start3A_203 = tpu.memref_slice %arg2[%add3A_24, %dma_start3A_201, %dma_start3A_202] : memref<2500x2x128xi32, #tpu.memory_space<hbm>> -> memref<1x2x128xi32, #tpu.memory_space<hbm>>
        %dma_start3A_204 = tpu.memref_squeeze %dma_start3A_203 : memref<1x2x128xi32, #tpu.memory_space<hbm>> -> memref<2x128xi32, #tpu.memory_space<hbm>>
        tpu.enqueue_dma source(%dma_start3A_204 : memref<2x128xi32, #tpu.memory_space<hbm>>) target(%arg6 : memref<2x128xi32, #tpu.memory_space<vmem>>) target_semaphore(%run_scoped3A : memref<!tpu.dma_semaphore, #tpu.memory_space<semaphore_mem>>)
        %dma_wait3A_205 = arith.constant 0 : i32
        %dma_wait3A_206 = arith.constant 0 : i32
        %dma_wait3A_207 = tpu.memref_slice %arg2[%add3A_24, %dma_wait3A_205, %dma_wait3A_206] : memref<2500x2x128xi32, #tpu.memory_space<hbm>> -> memref<1x2x128xi32, #tpu.memory_space<hbm>>
        %dma_wait3A_208 = tpu.memref_squeeze %dma_wait3A_207 : memref<1x2x128xi32, #tpu.memory_space<hbm>> -> memref<2x128xi32, #tpu.memory_space<hbm>>
        %dma_wait3A_209 = arith.constant 0 : i32
        %dma_wait3A_210 = arith.constant 0 : i32
        %dma_wait3A_211 = tpu.memref_slice %arg2[%add3A_24, %dma_wait3A_209, %dma_wait3A_210] : memref<2500x2x128xi32, #tpu.memory_space<hbm>> -> memref<1x2x128xi32, #tpu.memory_space<hbm>>
        %dma_wait3A_212 = tpu.memref_squeeze %dma_wait3A_211 : memref<1x2x128xi32, #tpu.memory_space<hbm>> -> memref<2x128xi32, #tpu.memory_space<hbm>>
        tpu.wait_dma2 semaphore(%run_scoped3A : memref<!tpu.dma_semaphore, #tpu.memory_space<semaphore_mem>>) src(%dma_wait3A_212 : memref<2x128xi32, #tpu.memory_space<hbm>>) dst(%arg6 : memref<2x128xi32, #tpu.memory_space<vmem>>)
        tpu.yield
      }) : () -> ()
      %dma_start3A = arith.constant 0 : i32
      %dma_start3A_25 = arith.constant 0 : i32
      %dma_start3A_26 = tpu.memref_slice %arg6[%dma_start3A, %dma_start3A_25] : memref<2x128xi32, #tpu.memory_space<vmem>> -> memref<1x128xi32, #tpu.memory_space<vmem>>
      %dma_start3A_27 = tpu.memref_squeeze %dma_start3A_26 : memref<1x128xi32, #tpu.memory_space<vmem>> -> memref<128xi32, #tpu.memory_space<vmem>>
      %dma_start3A_28 = arith.constant 0 : i32
      %dma_start3A_29 = arith.constant 0 : i32
      %dma_start3A_30 = tpu.memref_slice %arg3[%dma_start3A_28, %dma_start3A_29] : memref<10240x128xf32, #tpu.memory_space<hbm>> -> memref<10240x128xf32, #tpu.memory_space<hbm>>
      tpu.enqueue_indirect_dma source(%dma_start3A_30 : memref<10240x128xf32, #tpu.memory_space<hbm>>) target(%arg8 : memref<128x128xf32, #tpu.memory_space<vmem>>) offsets(%dma_start3A_27 : memref<128xi32, #tpu.memory_space<vmem>>) semaphore(%arg10 : memref<!tpu.dma_semaphore, #tpu.memory_space<semaphore_mem>>)
      %get3A = arith.constant 1 : i32
      %get3A_31 = arith.index_cast %get3A : i32 to index
      %get3A_32 = arith.constant 0 : index
      %get3A_33 = tpu.vector_load %arg6[%get3A_31, %get3A_32] {strides = array<i32>} : memref<2x128xi32, #tpu.memory_space<vmem>>, vector<1x16xi32>,
      %get3A_34 = vector.shape_cast %get3A_33 : vector<1x16xi32> to vector<16xi32>
      %sub3A_35 = vector.broadcast %mul3A_2 : i32 to vector<16xi32>
      %sub3A_36 = arith.subi %get3A_34, %sub3A_35 : vector<16xi32>
      %ge3A = arith.constant 0 : i32
      %ge3A_37 = vector.broadcast %ge3A : i32 to vector<16xi32>
      %ge3A_38 = arith.cmpi sge, %sub3A_36, %ge3A_37 : vector<16xi32>
      %lt3A = arith.constant 5120 : i32
      %lt3A_39 = vector.broadcast %lt3A : i32 to vector<16xi32>
      %lt3A_40 = arith.cmpi slt, %sub3A_36, %lt3A_39 : vector<16xi32>
      %and3A = arith.andi %ge3A_38, %lt3A_40 : vector<16xi1>
      %jit3A = arith.constant 5120 : i32
      %broadcast_in_dim3A = vector.broadcast %jit3A : i32 to vector<16xi32>
      %select_n3A = arith.select %and3A, %sub3A_36, %broadcast_in_dim3A : vector<16xi1>, vector<16xi32>
      %swap3A = arith.constant 0 : index
      %swap3A_41 = tpu.vector_load %arg7[%swap3A] {strides = array<i32>} : memref<128xi32, #tpu.memory_space<vmem>>, vector<16xi32>,
      %swap3A_42 = vector.shape_cast %swap3A_41 : vector<16xi32> to vector<16xi32>
      %swap3A_43 = vector.shape_cast %select_n3A : vector<16xi32> to vector<16xi32>
      tpu.vector_store %arg7[%swap3A], %swap3A_43 {strides = array<i32>} : memref<128xi32, #tpu.memory_space<vmem>>, vector<16xi32>,
      %get3A_44 = arith.constant 1 : i32
      %get3A_45 = arith.index_cast %get3A_44 : i32 to index
      %get3A_46 = arith.constant 16 : index
      %get3A_47 = tpu.vector_load %arg6[%get3A_45, %get3A_46] {strides = array<i32>} : memref<2x128xi32, #tpu.memory_space<vmem>>, vector<1x16xi32>,
      %get3A_48 = vector.shape_cast %get3A_47 : vector<1x16xi32> to vector<16xi32>
      %sub3A_49 = vector.broadcast %mul3A_2 : i32 to vector<16xi32>
      %sub3A_50 = arith.subi %get3A_48, %sub3A_49 : vector<16xi32>
      %ge3A_51 = arith.constant 0 : i32
      %ge3A_52 = vector.broadcast %ge3A_51 : i32 to vector<16xi32>
      %ge3A_53 = arith.cmpi sge, %sub3A_50, %ge3A_52 : vector<16xi32>
      %lt3A_54 = arith.constant 5120 : i32
      %lt3A_55 = vector.broadcast %lt3A_54 : i32 to vector<16xi32>
      %lt3A_56 = arith.cmpi slt, %sub3A_50, %lt3A_55 : vector<16xi32>
      %and3A_57 = arith.andi %ge3A_53, %lt3A_56 : vector<16xi1>
      %jit3A_58 = arith.constant 5120 : i32
      %broadcast_in_dim3A_59 = vector.broadcast %jit3A_58 : i32 to vector<16xi32>
      %select_n3A_60 = arith.select %and3A_57, %sub3A_50, %broadcast_in_dim3A_59 : vector<16xi1>, vector<16xi32>
      %swap3A_61 = arith.constant 16 : index
      %swap3A_62 = tpu.vector_load %arg7[%swap3A_61] {strides = array<i32>} : memref<128xi32, #tpu.memory_space<vmem>>, vector<16xi32>,
      %swap3A_63 = vector.shape_cast %swap3A_62 : vector<16xi32> to vector<16xi32>
      %swap3A_64 = vector.shape_cast %select_n3A_60 : vector<16xi32> to vector<16xi32>
      tpu.vector_store %arg7[%swap3A_61], %swap3A_64 {strides = array<i32>} : memref<128xi32, #tpu.memory_space<vmem>>, vector<16xi32>,
      %get3A_65 = arith.constant 1 : i32
      %get3A_66 = arith.index_cast %get3A_65 : i32 to index
      %get3A_67 = arith.constant 32 : index
      %get3A_68 = tpu.vector_load %arg6[%get3A_66, %get3A_67] {strides = array<i32>} : memref<2x128xi32, #tpu.memory_space<vmem>>, vector<1x16xi32>,
      %get3A_69 = vector.shape_cast %get3A_68 : vector<1x16xi32> to vector<16xi32>
      %sub3A_70 = vector.broadcast %mul3A_2 : i32 to vector<16xi32>
      %sub3A_71 = arith.subi %get3A_69, %sub3A_70 : vector<16xi32>
      %ge3A_72 = arith.constant 0 : i32
      %ge3A_73 = vector.broadcast %ge3A_72 : i32 to vector<16xi32>
      %ge3A_74 = arith.cmpi sge, %sub3A_71, %ge3A_73 : vector<16xi32>
      %lt3A_75 = arith.constant 5120 : i32
      %lt3A_76 = vector.broadcast %lt3A_75 : i32 to vector<16xi32>
      %lt3A_77 = arith.cmpi slt, %sub3A_71, %lt3A_76 : vector<16xi32>
      %and3A_78 = arith.andi %ge3A_74, %lt3A_77 : vector<16xi1>
      %jit3A_79 = arith.constant 5120 : i32
      %broadcast_in_dim3A_80 = vector.broadcast %jit3A_79 : i32 to vector<16xi32>
      %select_n3A_81 = arith.select %and3A_78, %sub3A_71, %broadcast_in_dim3A_80 : vector<16xi1>, vector<16xi32>
      %swap3A_82 = arith.constant 32 : index
      %swap3A_83 = tpu.vector_load %arg7[%swap3A_82] {strides = array<i32>} : memref<128xi32, #tpu.memory_space<vmem>>, vector<16xi32>,
      %swap3A_84 = vector.shape_cast %swap3A_83 : vector<16xi32> to vector<16xi32>
      %swap3A_85 = vector.shape_cast %select_n3A_81 : vector<16xi32> to vector<16xi32>
      tpu.vector_store %arg7[%swap3A_82], %swap3A_85 {strides = array<i32>} : memref<128xi32, #tpu.memory_space<vmem>>, vector<16xi32>,
      %get3A_86 = arith.constant 1 : i32
      %get3A_87 = arith.index_cast %get3A_86 : i32 to index
      %get3A_88 = arith.constant 48 : index
      %get3A_89 = tpu.vector_load %arg6[%get3A_87, %get3A_88] {strides = array<i32>} : memref<2x128xi32, #tpu.memory_space<vmem>>, vector<1x16xi32>,
      %get3A_90 = vector.shape_cast %get3A_89 : vector<1x16xi32> to vector<16xi32>
      %sub3A_91 = vector.broadcast %mul3A_2 : i32 to vector<16xi32>
      %sub3A_92 = arith.subi %get3A_90, %sub3A_91 : vector<16xi32>
      %ge3A_93 = arith.constant 0 : i32
      %ge3A_94 = vector.broadcast %ge3A_93 : i32 to vector<16xi32>
      %ge3A_95 = arith.cmpi sge, %sub3A_92, %ge3A_94 : vector<16xi32>
      %lt3A_96 = arith.constant 5120 : i32
      %lt3A_97 = vector.broadcast %lt3A_96 : i32 to vector<16xi32>
      %lt3A_98 = arith.cmpi slt, %sub3A_92, %lt3A_97 : vector<16xi32>
      %and3A_99 = arith.andi %ge3A_95, %lt3A_98 : vector<16xi1>
      %jit3A_100 = arith.constant 5120 : i32
      %broadcast_in_dim3A_101 = vector.broadcast %jit3A_100 : i32 to vector<16xi32>
      %select_n3A_102 = arith.select %and3A_99, %sub3A_92, %broadcast_in_dim3A_101 : vector<16xi1>, vector<16xi32>
      %swap3A_103 = arith.constant 48 : index
      %swap3A_104 = tpu.vector_load %arg7[%swap3A_103] {strides = array<i32>} : memref<128xi32, #tpu.memory_space<vmem>>, vector<16xi32>,
      %swap3A_105 = vector.shape_cast %swap3A_104 : vector<16xi32> to vector<16xi32>
      %swap3A_106 = vector.shape_cast %select_n3A_102 : vector<16xi32> to vector<16xi32>
      tpu.vector_store %arg7[%swap3A_103], %swap3A_106 {strides = array<i32>} : memref<128xi32, #tpu.memory_space<vmem>>, vector<16xi32>,
      %get3A_107 = arith.constant 1 : i32
      %get3A_108 = arith.index_cast %get3A_107 : i32 to index
      %get3A_109 = arith.constant 64 : index
      %get3A_110 = tpu.vector_load %arg6[%get3A_108, %get3A_109] {strides = array<i32>} : memref<2x128xi32, #tpu.memory_space<vmem>>, vector<1x16xi32>,
      %get3A_111 = vector.shape_cast %get3A_110 : vector<1x16xi32> to vector<16xi32>
      %sub3A_112 = vector.broadcast %mul3A_2 : i32 to vector<16xi32>
      %sub3A_113 = arith.subi %get3A_111, %sub3A_112 : vector<16xi32>
      %ge3A_114 = arith.constant 0 : i32
      %ge3A_115 = vector.broadcast %ge3A_114 : i32 to vector<16xi32>
      %ge3A_116 = arith.cmpi sge, %sub3A_113, %ge3A_115 : vector<16xi32>
      %lt3A_117 = arith.constant 5120 : i32
      %lt3A_118 = vector.broadcast %lt3A_117 : i32 to vector<16xi32>
      %lt3A_119 = arith.cmpi slt, %sub3A_113, %lt3A_118 : vector<16xi32>
      %and3A_120 = arith.andi %ge3A_116, %lt3A_119 : vector<16xi1>
      %jit3A_121 = arith.constant 5120 : i32
      %broadcast_in_dim3A_122 = vector.broadcast %jit3A_121 : i32 to vector<16xi32>
      %select_n3A_123 = arith.select %and3A_120, %sub3A_113, %broadcast_in_dim3A_122 : vector<16xi1>, vector<16xi32>
      %swap3A_124 = arith.constant 64 : index
      %swap3A_125 = tpu.vector_load %arg7[%swap3A_124] {strides = array<i32>} : memref<128xi32, #tpu.memory_space<vmem>>, vector<16xi32>,
      %swap3A_126 = vector.shape_cast %swap3A_125 : vector<16xi32> to vector<16xi32>
      %swap3A_127 = vector.shape_cast %select_n3A_123 : vector<16xi32> to vector<16xi32>
      tpu.vector_store %arg7[%swap3A_124], %swap3A_127 {strides = array<i32>} : memref<128xi32, #tpu.memory_space<vmem>>, vector<16xi32>,
      %get3A_128 = arith.constant 1 : i32
      %get3A_129 = arith.index_cast %get3A_128 : i32 to index
      %get3A_130 = arith.constant 80 : index
      %get3A_131 = tpu.vector_load %arg6[%get3A_129, %get3A_130] {strides = array<i32>} : memref<2x128xi32, #tpu.memory_space<vmem>>, vector<1x16xi32>,
      %get3A_132 = vector.shape_cast %get3A_131 : vector<1x16xi32> to vector<16xi32>
      %sub3A_133 = vector.broadcast %mul3A_2 : i32 to vector<16xi32>
      %sub3A_134 = arith.subi %get3A_132, %sub3A_133 : vector<16xi32>
      %ge3A_135 = arith.constant 0 : i32
      %ge3A_136 = vector.broadcast %ge3A_135 : i32 to vector<16xi32>
      %ge3A_137 = arith.cmpi sge, %sub3A_134, %ge3A_136 : vector<16xi32>
      %lt3A_138 = arith.constant 5120 : i32
      %lt3A_139 = vector.broadcast %lt3A_138 : i32 to vector<16xi32>
      %lt3A_140 = arith.cmpi slt, %sub3A_134, %lt3A_139 : vector<16xi32>
      %and3A_141 = arith.andi %ge3A_137, %lt3A_140 : vector<16xi1>
      %jit3A_142 = arith.constant 5120 : i32
      %broadcast_in_dim3A_143 = vector.broadcast %jit3A_142 : i32 to vector<16xi32>
      %select_n3A_144 = arith.select %and3A_141, %sub3A_134, %broadcast_in_dim3A_143 : vector<16xi1>, vector<16xi32>
      %swap3A_145 = arith.constant 80 : index
      %swap3A_146 = tpu.vector_load %arg7[%swap3A_145] {strides = array<i32>} : memref<128xi32, #tpu.memory_space<vmem>>, vector<16xi32>,
      %swap3A_147 = vector.shape_cast %swap3A_146 : vector<16xi32> to vector<16xi32>
      %swap3A_148 = vector.shape_cast %select_n3A_144 : vector<16xi32> to vector<16xi32>
      tpu.vector_store %arg7[%swap3A_145], %swap3A_148 {strides = array<i32>} : memref<128xi32, #tpu.memory_space<vmem>>, vector<16xi32>,
      %get3A_149 = arith.constant 1 : i32
      %get3A_150 = arith.index_cast %get3A_149 : i32 to index
      %get3A_151 = arith.constant 96 : index
      %get3A_152 = tpu.vector_load %arg6[%get3A_150, %get3A_151] {strides = array<i32>} : memref<2x128xi32, #tpu.memory_space<vmem>>, vector<1x16xi32>,
      %get3A_153 = vector.shape_cast %get3A_152 : vector<1x16xi32> to vector<16xi32>
      %sub3A_154 = vector.broadcast %mul3A_2 : i32 to vector<16xi32>
      %sub3A_155 = arith.subi %get3A_153, %sub3A_154 : vector<16xi32>
      %ge3A_156 = arith.constant 0 : i32
      %ge3A_157 = vector.broadcast %ge3A_156 : i32 to vector<16xi32>
      %ge3A_158 = arith.cmpi sge, %sub3A_155, %ge3A_157 : vector<16xi32>
      %lt3A_159 = arith.constant 5120 : i32
      %lt3A_160 = vector.broadcast %lt3A_159 : i32 to vector<16xi32>
      %lt3A_161 = arith.cmpi slt, %sub3A_155, %lt3A_160 : vector<16xi32>
      %and3A_162 = arith.andi %ge3A_158, %lt3A_161 : vector<16xi1>
      %jit3A_163 = arith.constant 5120 : i32
      %broadcast_in_dim3A_164 = vector.broadcast %jit3A_163 : i32 to vector<16xi32>
      %select_n3A_165 = arith.select %and3A_162, %sub3A_155, %broadcast_in_dim3A_164 : vector<16xi1>, vector<16xi32>
      %swap3A_166 = arith.constant 96 : index
      %swap3A_167 = tpu.vector_load %arg7[%swap3A_166] {strides = array<i32>} : memref<128xi32, #tpu.memory_space<vmem>>, vector<16xi32>,
      %swap3A_168 = vector.shape_cast %swap3A_167 : vector<16xi32> to vector<16xi32>
      %swap3A_169 = vector.shape_cast %select_n3A_165 : vector<16xi32> to vector<16xi32>
      tpu.vector_store %arg7[%swap3A_166], %swap3A_169 {strides = array<i32>} : memref<128xi32, #tpu.memory_space<vmem>>, vector<16xi32>,
      %get3A_170 = arith.constant 1 : i32
      %get3A_171 = arith.index_cast %get3A_170 : i32 to index
      %get3A_172 = arith.constant 112 : index
      %get3A_173 = tpu.vector_load %arg6[%get3A_171, %get3A_172] {strides = array<i32>} : memref<2x128xi32, #tpu.memory_space<vmem>>, vector<1x16xi32>,
      %get3A_174 = vector.shape_cast %get3A_173 : vector<1x16xi32> to vector<16xi32>
      %sub3A_175 = vector.broadcast %mul3A_2 : i32 to vector<16xi32>
      %sub3A_176 = arith.subi %get3A_174, %sub3A_175 : vector<16xi32>
      %ge3A_177 = arith.constant 0 : i32
      %ge3A_178 = vector.broadcast %ge3A_177 : i32 to vector<16xi32>
      %ge3A_179 = arith.cmpi sge, %sub3A_176, %ge3A_178 : vector<16xi32>
      %lt3A_180 = arith.constant 5120 : i32
      %lt3A_181 = vector.broadcast %lt3A_180 : i32 to vector<16xi32>
      %lt3A_182 = arith.cmpi slt, %sub3A_176, %lt3A_181 : vector<16xi32>
      %and3A_183 = arith.andi %ge3A_179, %lt3A_182 : vector<16xi1>
      %jit3A_184 = arith.constant 5120 : i32
      %broadcast_in_dim3A_185 = vector.broadcast %jit3A_184 : i32 to vector<16xi32>
      %select_n3A_186 = arith.select %and3A_183, %sub3A_176, %broadcast_in_dim3A_185 : vector<16xi1>, vector<16xi32>
      %swap3A_187 = arith.constant 112 : index
      %swap3A_188 = tpu.vector_load %arg7[%swap3A_187] {strides = array<i32>} : memref<128xi32, #tpu.memory_space<vmem>>, vector<16xi32>,
      %swap3A_189 = vector.shape_cast %swap3A_188 : vector<16xi32> to vector<16xi32>
      %swap3A_190 = vector.shape_cast %select_n3A_186 : vector<16xi32> to vector<16xi32>
      tpu.vector_store %arg7[%swap3A_187], %swap3A_190 {strides = array<i32>} : memref<128xi32, #tpu.memory_space<vmem>>, vector<16xi32>,
      %dma_wait3A = arith.constant 0 : i32
      %dma_wait3A_191 = arith.constant 0 : i32
      %dma_wait3A_192 = tpu.memref_slice %arg6[%dma_wait3A, %dma_wait3A_191] : memref<2x128xi32, #tpu.memory_space<vmem>> -> memref<1x128xi32, #tpu.memory_space<vmem>>
      %dma_wait3A_193 = tpu.memref_squeeze %dma_wait3A_192 : memref<1x128xi32, #tpu.memory_space<vmem>> -> memref<128xi32, #tpu.memory_space<vmem>>
      %dma_wait3A_194 = arith.constant 0 : i32
      %dma_wait3A_195 = arith.constant 0 : i32
      %dma_wait3A_196 = tpu.memref_slice %arg3[%dma_wait3A_194, %dma_wait3A_195] : memref<10240x128xf32, #tpu.memory_space<hbm>> -> memref<10240x128xf32, #tpu.memory_space<hbm>>
      tpu.wait_indirect_dma semaphore(%arg10 : memref<!tpu.dma_semaphore, #tpu.memory_space<semaphore_mem>>) src(%dma_wait3A_196 : memref<10240x128xf32, #tpu.memory_space<hbm>>) dst(%arg8 : memref<128x128xf32, #tpu.memory_space<vmem>>)
      "tpu.region"() ({
        %run_scoped3A = tpu.sem_alloc : memref<!tpu.dma_semaphore, #tpu.memory_space<semaphore_mem>>
        %dma_start3A_197 = arith.constant 0 : i32
        %dma_start3A_198 = arith.constant 0 : i32
        %dma_start3A_199 = tpu.memref_slice %arg9[%dma_start3A_197, %dma_start3A_198] : memref<5248x128xf32, #tpu.memory_space<vmem_shared>> -> memref<5248x128xf32, #tpu.memory_space<vmem_shared>>
        tpu.enqueue_indirect_dma source(%arg8 : memref<128x128xf32, #tpu.memory_space<vmem>>) target(%dma_start3A_199 : memref<5248x128xf32, #tpu.memory_space<vmem_shared>>) offsets(%arg7 : memref<128xi32, #tpu.memory_space<vmem>>) semaphore(%run_scoped3A : memref<!tpu.dma_semaphore, #tpu.memory_space<semaphore_mem>>) {add = true}
        %dma_wait3A_200 = arith.constant 0 : i32
        %dma_wait3A_201 = arith.constant 0 : i32
        %dma_wait3A_202 = tpu.memref_slice %arg9[%dma_wait3A_200, %dma_wait3A_201] : memref<5248x128xf32, #tpu.memory_space<vmem_shared>> -> memref<5248x128xf32, #tpu.memory_space<vmem_shared>>
        tpu.wait_indirect_dma semaphore(%run_scoped3A : memref<!tpu.dma_semaphore, #tpu.memory_space<semaphore_mem>>) src(%arg8 : memref<128x128xf32, #tpu.memory_space<vmem>>) dst(%dma_wait3A_202 : memref<5248x128xf32, #tpu.memory_space<vmem_shared>>)
        tpu.yield
      }) : () -> ()
    }
    %while3A_16 = arith.constant 1 : i32
    scf.for %while3A_22 = %while3A_14 to %while3A_10 step %while3A_16  : i32 {
      %mul3A_23 = arith.muli %while3A_22, %while3A : i32
      %add3A_24 = arith.addi %arg1, %mul3A_23 : i32
      "tpu.region"() ({
        %run_scoped3A = tpu.sem_alloc : memref<!tpu.dma_semaphore, #tpu.memory_space<semaphore_mem>>
        %dma_start3A_197 = arith.constant 0 : i32
        %dma_start3A_198 = arith.constant 0 : i32
        %dma_start3A_199 = tpu.memref_slice %arg2[%add3A_24, %dma_start3A_197, %dma_start3A_198] : memref<2500x2x128xi32, #tpu.memory_space<hbm>> -> memref<1x2x128xi32, #tpu.memory_space<hbm>>
        %dma_start3A_200 = tpu.memref_squeeze %dma_start3A_199 : memref<1x2x128xi32, #tpu.memory_space<hbm>> -> memref<2x128xi32, #tpu.memory_space<hbm>>
        %dma_start3A_201 = arith.constant 0 : i32
        %dma_start3A_202 = arith.constant 0 : i32
        %dma_start3A_203 = tpu.memref_slice %arg2[%add3A_24, %dma_start3A_201, %dma_start3A_202] : memref<2500x2x128xi32, #tpu.memory_space<hbm>> -> memref<1x2x128xi32, #tpu.memory_space<hbm>>
        %dma_start3A_204 = tpu.memref_squeeze %dma_start3A_203 : memref<1x2x128xi32, #tpu.memory_space<hbm>> -> memref<2x128xi32, #tpu.memory_space<hbm>>
        tpu.enqueue_dma source(%dma_start3A_204 : memref<2x128xi32, #tpu.memory_space<hbm>>) target(%arg6 : memref<2x128xi32, #tpu.memory_space<vmem>>) target_semaphore(%run_scoped3A : memref<!tpu.dma_semaphore, #tpu.memory_space<semaphore_mem>>)
        %dma_wait3A_205 = arith.constant 0 : i32
        %dma_wait3A_206 = arith.constant 0 : i32
        %dma_wait3A_207 = tpu.memref_slice %arg2[%add3A_24, %dma_wait3A_205, %dma_wait3A_206] : memref<2500x2x128xi32, #tpu.memory_space<hbm>> -> memref<1x2x128xi32, #tpu.memory_space<hbm>>
        %dma_wait3A_208 = tpu.memref_squeeze %dma_wait3A_207 : memref<1x2x128xi32, #tpu.memory_space<hbm>> -> memref<2x128xi32, #tpu.memory_space<hbm>>
        %dma_wait3A_209 = arith.constant 0 : i32
        %dma_wait3A_210 = arith.constant 0 : i32
        %dma_wait3A_211 = tpu.memref_slice %arg2[%add3A_24, %dma_wait3A_209, %dma_wait3A_210] : memref<2500x2x128xi32, #tpu.memory_space<hbm>> -> memref<1x2x128xi32, #tpu.memory_space<hbm>>
        %dma_wait3A_212 = tpu.memref_squeeze %dma_wait3A_211 : memref<1x2x128xi32, #tpu.memory_space<hbm>> -> memref<2x128xi32, #tpu.memory_space<hbm>>
        tpu.wait_dma2 semaphore(%run_scoped3A : memref<!tpu.dma_semaphore, #tpu.memory_space<semaphore_mem>>) src(%dma_wait3A_212 : memref<2x128xi32, #tpu.memory_space<hbm>>) dst(%arg6 : memref<2x128xi32, #tpu.memory_space<vmem>>)
        tpu.yield
      }) : () -> ()
      %dma_start3A = arith.constant 0 : i32
      %dma_start3A_25 = arith.constant 0 : i32
      %dma_start3A_26 = tpu.memref_slice %arg6[%dma_start3A, %dma_start3A_25] : memref<2x128xi32, #tpu.memory_space<vmem>> -> memref<1x128xi32, #tpu.memory_space<vmem>>
      %dma_start3A_27 = tpu.memref_squeeze %dma_start3A_26 : memref<1x128xi32, #tpu.memory_space<vmem>> -> memref<128xi32, #tpu.memory_space<vmem>>
      %dma_start3A_28 = arith.constant 0 : i32
      %dma_start3A_29 = arith.constant 0 : i32
      %dma_start3A_30 = tpu.memref_slice %arg3[%dma_start3A_28, %dma_start3A_29] : memref<10240x128xf32, #tpu.memory_space<hbm>> -> memref<10240x128xf32, #tpu.memory_space<hbm>>
      tpu.enqueue_indirect_dma source(%dma_start3A_30 : memref<10240x128xf32, #tpu.memory_space<hbm>>) target(%arg8 : memref<128x128xf32, #tpu.memory_space<vmem>>) offsets(%dma_start3A_27 : memref<128xi32, #tpu.memory_space<vmem>>) semaphore(%arg10 : memref<!tpu.dma_semaphore, #tpu.memory_space<semaphore_mem>>)
      %get3A = arith.constant 1 : i32
      %get3A_31 = arith.index_cast %get3A : i32 to index
      %get3A_32 = arith.constant 0 : index
      %get3A_33 = tpu.vector_load %arg6[%get3A_31, %get3A_32] {strides = array<i32>} : memref<2x128xi32, #tpu.memory_space<vmem>>, vector<1x16xi32>,
      %get3A_34 = vector.shape_cast %get3A_33 : vector<1x16xi32> to vector<16xi32>
      %sub3A_35 = vector.broadcast %mul3A_2 : i32 to vector<16xi32>
      %sub3A_36 = arith.subi %get3A_34, %sub3A_35 : vector<16xi32>
      %ge3A = arith.constant 0 : i32
      %ge3A_37 = vector.broadcast %ge3A : i32 to vector<16xi32>
      %ge3A_38 = arith.cmpi sge, %sub3A_36, %ge3A_37 : vector<16xi32>
      %lt3A = arith.constant 5120 : i32
      %lt3A_39 = vector.broadcast %lt3A : i32 to vector<16xi32>
      %lt3A_40 = arith.cmpi slt, %sub3A_36, %lt3A_39 : vector<16xi32>
      %and3A = arith.andi %ge3A_38, %lt3A_40 : vector<16xi1>
      %jit3A = arith.constant 5120 : i32
      %broadcast_in_dim3A = vector.broadcast %jit3A : i32 to vector<16xi32>
      %select_n3A = arith.select %and3A, %sub3A_36, %broadcast_in_dim3A : vector<16xi1>, vector<16xi32>
      %swap3A = arith.constant 0 : index
      %swap3A_41 = tpu.vector_load %arg7[%swap3A] {strides = array<i32>} : memref<128xi32, #tpu.memory_space<vmem>>, vector<16xi32>,
      %swap3A_42 = vector.shape_cast %swap3A_41 : vector<16xi32> to vector<16xi32>
      %swap3A_43 = vector.shape_cast %select_n3A : vector<16xi32> to vector<16xi32>
      tpu.vector_store %arg7[%swap3A], %swap3A_43 {strides = array<i32>} : memref<128xi32, #tpu.memory_space<vmem>>, vector<16xi32>,
      %get3A_44 = arith.constant 1 : i32
      %get3A_45 = arith.index_cast %get3A_44 : i32 to index
      %get3A_46 = arith.constant 16 : index
      %get3A_47 = tpu.vector_load %arg6[%get3A_45, %get3A_46] {strides = array<i32>} : memref<2x128xi32, #tpu.memory_space<vmem>>, vector<1x16xi32>,
      %get3A_48 = vector.shape_cast %get3A_47 : vector<1x16xi32> to vector<16xi32>
      %sub3A_49 = vector.broadcast %mul3A_2 : i32 to vector<16xi32>
      %sub3A_50 = arith.subi %get3A_48, %sub3A_49 : vector<16xi32>
      %ge3A_51 = arith.constant 0 : i32
      %ge3A_52 = vector.broadcast %ge3A_51 : i32 to vector<16xi32>
      %ge3A_53 = arith.cmpi sge, %sub3A_50, %ge3A_52 : vector<16xi32>
      %lt3A_54 = arith.constant 5120 : i32
      %lt3A_55 = vector.broadcast %lt3A_54 : i32 to vector<16xi32>
      %lt3A_56 = arith.cmpi slt, %sub3A_50, %lt3A_55 : vector<16xi32>
      %and3A_57 = arith.andi %ge3A_53, %lt3A_56 : vector<16xi1>
      %jit3A_58 = arith.constant 5120 : i32
      %broadcast_in_dim3A_59 = vector.broadcast %jit3A_58 : i32 to vector<16xi32>
      %select_n3A_60 = arith.select %and3A_57, %sub3A_50, %broadcast_in_dim3A_59 : vector<16xi1>, vector<16xi32>
      %swap3A_61 = arith.constant 16 : index
      %swap3A_62 = tpu.vector_load %arg7[%swap3A_61] {strides = array<i32>} : memref<128xi32, #tpu.memory_space<vmem>>, vector<16xi32>,
      %swap3A_63 = vector.shape_cast %swap3A_62 : vector<16xi32> to vector<16xi32>
      %swap3A_64 = vector.shape_cast %select_n3A_60 : vector<16xi32> to vector<16xi32>
      tpu.vector_store %arg7[%swap3A_61], %swap3A_64 {strides = array<i32>} : memref<128xi32, #tpu.memory_space<vmem>>, vector<16xi32>,
      %get3A_65 = arith.constant 1 : i32
      %get3A_66 = arith.index_cast %get3A_65 : i32 to index
      %get3A_67 = arith.constant 32 : index
      %get3A_68 = tpu.vector_load %arg6[%get3A_66, %get3A_67] {strides = array<i32>} : memref<2x128xi32, #tpu.memory_space<vmem>>, vector<1x16xi32>,
      %get3A_69 = vector.shape_cast %get3A_68 : vector<1x16xi32> to vector<16xi32>
      %sub3A_70 = vector.broadcast %mul3A_2 : i32 to vector<16xi32>
      %sub3A_71 = arith.subi %get3A_69, %sub3A_70 : vector<16xi32>
      %ge3A_72 = arith.constant 0 : i32
      %ge3A_73 = vector.broadcast %ge3A_72 : i32 to vector<16xi32>
      %ge3A_74 = arith.cmpi sge, %sub3A_71, %ge3A_73 : vector<16xi32>
      %lt3A_75 = arith.constant 5120 : i32
      %lt3A_76 = vector.broadcast %lt3A_75 : i32 to vector<16xi32>
      %lt3A_77 = arith.cmpi slt, %sub3A_71, %lt3A_76 : vector<16xi32>
      %and3A_78 = arith.andi %ge3A_74, %lt3A_77 : vector<16xi1>
      %jit3A_79 = arith.constant 5120 : i32
      %broadcast_in_dim3A_80 = vector.broadcast %jit3A_79 : i32 to vector<16xi32>
      %select_n3A_81 = arith.select %and3A_78, %sub3A_71, %broadcast_in_dim3A_80 : vector<16xi1>, vector<16xi32>
      %swap3A_82 = arith.constant 32 : index
      %swap3A_83 = tpu.vector_load %arg7[%swap3A_82] {strides = array<i32>} : memref<128xi32, #tpu.memory_space<vmem>>, vector<16xi32>,
      %swap3A_84 = vector.shape_cast %swap3A_83 : vector<16xi32> to vector<16xi32>
      %swap3A_85 = vector.shape_cast %select_n3A_81 : vector<16xi32> to vector<16xi32>
      tpu.vector_store %arg7[%swap3A_82], %swap3A_85 {strides = array<i32>} : memref<128xi32, #tpu.memory_space<vmem>>, vector<16xi32>,
      %get3A_86 = arith.constant 1 : i32
      %get3A_87 = arith.index_cast %get3A_86 : i32 to index
      %get3A_88 = arith.constant 48 : index
      %get3A_89 = tpu.vector_load %arg6[%get3A_87, %get3A_88] {strides = array<i32>} : memref<2x128xi32, #tpu.memory_space<vmem>>, vector<1x16xi32>,
      %get3A_90 = vector.shape_cast %get3A_89 : vector<1x16xi32> to vector<16xi32>
      %sub3A_91 = vector.broadcast %mul3A_2 : i32 to vector<16xi32>
      %sub3A_92 = arith.subi %get3A_90, %sub3A_91 : vector<16xi32>
      %ge3A_93 = arith.constant 0 : i32
      %ge3A_94 = vector.broadcast %ge3A_93 : i32 to vector<16xi32>
      %ge3A_95 = arith.cmpi sge, %sub3A_92, %ge3A_94 : vector<16xi32>
      %lt3A_96 = arith.constant 5120 : i32
      %lt3A_97 = vector.broadcast %lt3A_96 : i32 to vector<16xi32>
      %lt3A_98 = arith.cmpi slt, %sub3A_92, %lt3A_97 : vector<16xi32>
      %and3A_99 = arith.andi %ge3A_95, %lt3A_98 : vector<16xi1>
      %jit3A_100 = arith.constant 5120 : i32
      %broadcast_in_dim3A_101 = vector.broadcast %jit3A_100 : i32 to vector<16xi32>
      %select_n3A_102 = arith.select %and3A_99, %sub3A_92, %broadcast_in_dim3A_101 : vector<16xi1>, vector<16xi32>
      %swap3A_103 = arith.constant 48 : index
      %swap3A_104 = tpu.vector_load %arg7[%swap3A_103] {strides = array<i32>} : memref<128xi32, #tpu.memory_space<vmem>>, vector<16xi32>,
      %swap3A_105 = vector.shape_cast %swap3A_104 : vector<16xi32> to vector<16xi32>
      %swap3A_106 = vector.shape_cast %select_n3A_102 : vector<16xi32> to vector<16xi32>
      tpu.vector_store %arg7[%swap3A_103], %swap3A_106 {strides = array<i32>} : memref<128xi32, #tpu.memory_space<vmem>>, vector<16xi32>,
      %get3A_107 = arith.constant 1 : i32
      %get3A_108 = arith.index_cast %get3A_107 : i32 to index
      %get3A_109 = arith.constant 64 : index
      %get3A_110 = tpu.vector_load %arg6[%get3A_108, %get3A_109] {strides = array<i32>} : memref<2x128xi32, #tpu.memory_space<vmem>>, vector<1x16xi32>,
      %get3A_111 = vector.shape_cast %get3A_110 : vector<1x16xi32> to vector<16xi32>
      %sub3A_112 = vector.broadcast %mul3A_2 : i32 to vector<16xi32>
      %sub3A_113 = arith.subi %get3A_111, %sub3A_112 : vector<16xi32>
      %ge3A_114 = arith.constant 0 : i32
      %ge3A_115 = vector.broadcast %ge3A_114 : i32 to vector<16xi32>
      %ge3A_116 = arith.cmpi sge, %sub3A_113, %ge3A_115 : vector<16xi32>
      %lt3A_117 = arith.constant 5120 : i32
      %lt3A_118 = vector.broadcast %lt3A_117 : i32 to vector<16xi32>
      %lt3A_119 = arith.cmpi slt, %sub3A_113, %lt3A_118 : vector<16xi32>
      %and3A_120 = arith.andi %ge3A_116, %lt3A_119 : vector<16xi1>
      %jit3A_121 = arith.constant 5120 : i32
      %broadcast_in_dim3A_122 = vector.broadcast %jit3A_121 : i32 to vector<16xi32>
      %select_n3A_123 = arith.select %and3A_120, %sub3A_113, %broadcast_in_dim3A_122 : vector<16xi1>, vector<16xi32>
      %swap3A_124 = arith.constant 64 : index
      %swap3A_125 = tpu.vector_load %arg7[%swap3A_124] {strides = array<i32>} : memref<128xi32, #tpu.memory_space<vmem>>, vector<16xi32>,
      %swap3A_126 = vector.shape_cast %swap3A_125 : vector<16xi32> to vector<16xi32>
      %swap3A_127 = vector.shape_cast %select_n3A_123 : vector<16xi32> to vector<16xi32>
      tpu.vector_store %arg7[%swap3A_124], %swap3A_127 {strides = array<i32>} : memref<128xi32, #tpu.memory_space<vmem>>, vector<16xi32>,
      %get3A_128 = arith.constant 1 : i32
      %get3A_129 = arith.index_cast %get3A_128 : i32 to index
      %get3A_130 = arith.constant 80 : index
      %get3A_131 = tpu.vector_load %arg6[%get3A_129, %get3A_130] {strides = array<i32>} : memref<2x128xi32, #tpu.memory_space<vmem>>, vector<1x16xi32>,
      %get3A_132 = vector.shape_cast %get3A_131 : vector<1x16xi32> to vector<16xi32>
      %sub3A_133 = vector.broadcast %mul3A_2 : i32 to vector<16xi32>
      %sub3A_134 = arith.subi %get3A_132, %sub3A_133 : vector<16xi32>
      %ge3A_135 = arith.constant 0 : i32
      %ge3A_136 = vector.broadcast %ge3A_135 : i32 to vector<16xi32>
      %ge3A_137 = arith.cmpi sge, %sub3A_134, %ge3A_136 : vector<16xi32>
      %lt3A_138 = arith.constant 5120 : i32
      %lt3A_139 = vector.broadcast %lt3A_138 : i32 to vector<16xi32>
      %lt3A_140 = arith.cmpi slt, %sub3A_134, %lt3A_139 : vector<16xi32>
      %and3A_141 = arith.andi %ge3A_137, %lt3A_140 : vector<16xi1>
      %jit3A_142 = arith.constant 5120 : i32
      %broadcast_in_dim3A_143 = vector.broadcast %jit3A_142 : i32 to vector<16xi32>
      %select_n3A_144 = arith.select %and3A_141, %sub3A_134, %broadcast_in_dim3A_143 : vector<16xi1>, vector<16xi32>
      %swap3A_145 = arith.constant 80 : index
      %swap3A_146 = tpu.vector_load %arg7[%swap3A_145] {strides = array<i32>} : memref<128xi32, #tpu.memory_space<vmem>>, vector<16xi32>,
      %swap3A_147 = vector.shape_cast %swap3A_146 : vector<16xi32> to vector<16xi32>
      %swap3A_148 = vector.shape_cast %select_n3A_144 : vector<16xi32> to vector<16xi32>
      tpu.vector_store %arg7[%swap3A_145], %swap3A_148 {strides = array<i32>} : memref<128xi32, #tpu.memory_space<vmem>>, vector<16xi32>,
      %get3A_149 = arith.constant 1 : i32
      %get3A_150 = arith.index_cast %get3A_149 : i32 to index
      %get3A_151 = arith.constant 96 : index
      %get3A_152 = tpu.vector_load %arg6[%get3A_150, %get3A_151] {strides = array<i32>} : memref<2x128xi32, #tpu.memory_space<vmem>>, vector<1x16xi32>,
      %get3A_153 = vector.shape_cast %get3A_152 : vector<1x16xi32> to vector<16xi32>
      %sub3A_154 = vector.broadcast %mul3A_2 : i32 to vector<16xi32>
      %sub3A_155 = arith.subi %get3A_153, %sub3A_154 : vector<16xi32>
      %ge3A_156 = arith.constant 0 : i32
      %ge3A_157 = vector.broadcast %ge3A_156 : i32 to vector<16xi32>
      %ge3A_158 = arith.cmpi sge, %sub3A_155, %ge3A_157 : vector<16xi32>
      %lt3A_159 = arith.constant 5120 : i32
      %lt3A_160 = vector.broadcast %lt3A_159 : i32 to vector<16xi32>
      %lt3A_161 = arith.cmpi slt, %sub3A_155, %lt3A_160 : vector<16xi32>
      %and3A_162 = arith.andi %ge3A_158, %lt3A_161 : vector<16xi1>
      %jit3A_163 = arith.constant 5120 : i32
      %broadcast_in_dim3A_164 = vector.broadcast %jit3A_163 : i32 to vector<16xi32>
      %select_n3A_165 = arith.select %and3A_162, %sub3A_155, %broadcast_in_dim3A_164 : vector<16xi1>, vector<16xi32>
      %swap3A_166 = arith.constant 96 : index
      %swap3A_167 = tpu.vector_load %arg7[%swap3A_166] {strides = array<i32>} : memref<128xi32, #tpu.memory_space<vmem>>, vector<16xi32>,
      %swap3A_168 = vector.shape_cast %swap3A_167 : vector<16xi32> to vector<16xi32>
      %swap3A_169 = vector.shape_cast %select_n3A_165 : vector<16xi32> to vector<16xi32>
      tpu.vector_store %arg7[%swap3A_166], %swap3A_169 {strides = array<i32>} : memref<128xi32, #tpu.memory_space<vmem>>, vector<16xi32>,
      %get3A_170 = arith.constant 1 : i32
      %get3A_171 = arith.index_cast %get3A_170 : i32 to index
      %get3A_172 = arith.constant 112 : index
      %get3A_173 = tpu.vector_load %arg6[%get3A_171, %get3A_172] {strides = array<i32>} : memref<2x128xi32, #tpu.memory_space<vmem>>, vector<1x16xi32>,
      %get3A_174 = vector.shape_cast %get3A_173 : vector<1x16xi32> to vector<16xi32>
      %sub3A_175 = vector.broadcast %mul3A_2 : i32 to vector<16xi32>
      %sub3A_176 = arith.subi %get3A_174, %sub3A_175 : vector<16xi32>
      %ge3A_177 = arith.constant 0 : i32
      %ge3A_178 = vector.broadcast %ge3A_177 : i32 to vector<16xi32>
      %ge3A_179 = arith.cmpi sge, %sub3A_176, %ge3A_178 : vector<16xi32>
      %lt3A_180 = arith.constant 5120 : i32
      %lt3A_181 = vector.broadcast %lt3A_180 : i32 to vector<16xi32>
      %lt3A_182 = arith.cmpi slt, %sub3A_176, %lt3A_181 : vector<16xi32>
      %and3A_183 = arith.andi %ge3A_179, %lt3A_182 : vector<16xi1>
      %jit3A_184 = arith.constant 5120 : i32
      %broadcast_in_dim3A_185 = vector.broadcast %jit3A_184 : i32 to vector<16xi32>
      %select_n3A_186 = arith.select %and3A_183, %sub3A_176, %broadcast_in_dim3A_185 : vector<16xi1>, vector<16xi32>
      %swap3A_187 = arith.constant 112 : index
      %swap3A_188 = tpu.vector_load %arg7[%swap3A_187] {strides = array<i32>} : memref<128xi32, #tpu.memory_space<vmem>>, vector<16xi32>,
      %swap3A_189 = vector.shape_cast %swap3A_188 : vector<16xi32> to vector<16xi32>
      %swap3A_190 = vector.shape_cast %select_n3A_186 : vector<16xi32> to vector<16xi32>
      tpu.vector_store %arg7[%swap3A_187], %swap3A_190 {strides = array<i32>} : memref<128xi32, #tpu.memory_space<vmem>>, vector<16xi32>,
      %dma_wait3A = arith.constant 0 : i32
      %dma_wait3A_191 = arith.constant 0 : i32
      %dma_wait3A_192 = tpu.memref_slice %arg6[%dma_wait3A, %dma_wait3A_191] : memref<2x128xi32, #tpu.memory_space<vmem>> -> memref<1x128xi32, #tpu.memory_space<vmem>>
      %dma_wait3A_193 = tpu.memref_squeeze %dma_wait3A_192 : memref<1x128xi32, #tpu.memory_space<vmem>> -> memref<128xi32, #tpu.memory_space<vmem>>
      %dma_wait3A_194 = arith.constant 0 : i32
      %dma_wait3A_195 = arith.constant 0 : i32
      %dma_wait3A_196 = tpu.memref_slice %arg3[%dma_wait3A_194, %dma_wait3A_195] : memref<10240x128xf32, #tpu.memory_space<hbm>> -> memref<10240x128xf32, #tpu.memory_space<hbm>>
      tpu.wait_indirect_dma semaphore(%arg10 : memref<!tpu.dma_semaphore, #tpu.memory_space<semaphore_mem>>) src(%dma_wait3A_196 : memref<10240x128xf32, #tpu.memory_space<hbm>>) dst(%arg8 : memref<128x128xf32, #tpu.memory_space<vmem>>)
      "tpu.region"() ({
        %run_scoped3A = tpu.sem_alloc : memref<!tpu.dma_semaphore, #tpu.memory_space<semaphore_mem>>
        %dma_start3A_197 = arith.constant 0 : i32
        %dma_start3A_198 = arith.constant 0 : i32
        %dma_start3A_199 = tpu.memref_slice %arg9[%dma_start3A_197, %dma_start3A_198] : memref<5248x128xf32, #tpu.memory_space<vmem_shared>> -> memref<5248x128xf32, #tpu.memory_space<vmem_shared>>
        tpu.enqueue_indirect_dma source(%arg8 : memref<128x128xf32, #tpu.memory_space<vmem>>) target(%dma_start3A_199 : memref<5248x128xf32, #tpu.memory_space<vmem_shared>>) offsets(%arg7 : memref<128xi32, #tpu.memory_space<vmem>>) semaphore(%run_scoped3A : memref<!tpu.dma_semaphore, #tpu.memory_space<semaphore_mem>>) {add = true}
        %dma_wait3A_200 = arith.constant 0 : i32
        %dma_wait3A_201 = arith.constant 0 : i32
        %dma_wait3A_202 = tpu.memref_slice %arg9[%dma_wait3A_200, %dma_wait3A_201] : memref<5248x128xf32, #tpu.memory_space<vmem_shared>> -> memref<5248x128xf32, #tpu.memory_space<vmem_shared>>
        tpu.wait_indirect_dma semaphore(%run_scoped3A : memref<!tpu.dma_semaphore, #tpu.memory_space<semaphore_mem>>) src(%arg8 : memref<128x128xf32, #tpu.memory_space<vmem>>) dst(%dma_wait3A_202 : memref<5248x128xf32, #tpu.memory_space<vmem_shared>>)
        tpu.yield
      }) : () -> ()
    }
    %barrier3A_17 = arith.constant 0 : index
    tpu.barrier barrier_id(%barrier3A_17)
    %mul3A_18 = arith.constant 320 : i32
    %mul3A_19 = arith.muli %arg1, %mul3A_18 : i32
    %mul3A_20 = arith.constant 320 : i32
    %mul3A_21 = arith.muli %arg1, %mul3A_20 : i32
    "tpu.region"() ({
      %run_scoped3A = tpu.sem_alloc : memref<!tpu.dma_semaphore, #tpu.memory_space<semaphore_mem>>
      %dma_start3A = arith.constant 0 : i32
      %dma_start3A_22 = tpu.memref_slice %arg5[%arg0, %mul3A_21, %dma_start3A] : memref<2x5120x128xf32, #tpu.memory_space<hbm>> -> memref<1x320x128xf32, #tpu.memory_space<hbm>>
      %dma_start3A_23 = tpu.memref_squeeze %dma_start3A_22 : memref<1x320x128xf32, #tpu.memory_space<hbm>> -> memref<320x128xf32, #tpu.memory_space<hbm>>
      %dma_start3A_24 = arith.constant 0 : i32
      %dma_start3A_25 = tpu.memref_slice %arg9[%mul3A_19, %dma_start3A_24] : memref<5248x128xf32, #tpu.memory_space<vmem_shared>> -> memref<320x128xf32, #tpu.memory_space<vmem_shared>>
      tpu.enqueue_dma source(%dma_start3A_25 : memref<320x128xf32, #tpu.memory_space<vmem_shared>>) target(%dma_start3A_23 : memref<320x128xf32, #tpu.memory_space<hbm>>) target_semaphore(%run_scoped3A : memref<!tpu.dma_semaphore, #tpu.memory_space<semaphore_mem>>)
      %dma_wait3A = arith.constant 0 : i32
      %dma_wait3A_26 = tpu.memref_slice %arg5[%arg0, %mul3A_21, %dma_wait3A] : memref<2x5120x128xf32, #tpu.memory_space<hbm>> -> memref<1x320x128xf32, #tpu.memory_space<hbm>>
      %dma_wait3A_27 = tpu.memref_squeeze %dma_wait3A_26 : memref<1x320x128xf32, #tpu.memory_space<hbm>> -> memref<320x128xf32, #tpu.memory_space<hbm>>
      %dma_wait3A_28 = arith.constant 0 : i32
      %dma_wait3A_29 = tpu.memref_slice %arg9[%mul3A_19, %dma_wait3A_28] : memref<5248x128xf32, #tpu.memory_space<vmem_shared>> -> memref<320x128xf32, #tpu.memory_space<vmem_shared>>
      tpu.wait_dma2 semaphore(%run_scoped3A : memref<!tpu.dma_semaphore, #tpu.memory_space<semaphore_mem>>) src(%dma_wait3A_29 : memref<320x128xf32, #tpu.memory_space<vmem_shared>>) dst(%dma_wait3A_27 : memref<320x128xf32, #tpu.memory_space<hbm>>)
      tpu.yield
    }) : () -> ()
    return
  }
}

#map = affine_map<(d0, d1) -> (0, 0, 0)>
#map1 = affine_map<(d0, d1) -> (0, 0)>
module attributes {stable_mosaic.version = 14 : i64} {
  func.func @_sc_agg_body(%arg0: i32, %arg1: i32, %arg2: memref<2500x2x128xi32, #tpu.memory_space<hbm>>, %arg3: memref<10240x128xf32, #tpu.memory_space<hbm>>, %arg4: memref<328x128xf32, #tpu.memory_space<hbm>>, %arg5: memref<2x5120x128xf32, #tpu.memory_space<hbm>>, %arg6: memref<2x128xi32, #tpu.memory_space<vmem>>, %arg7: memref<128xi32, #tpu.memory_space<vmem>>, %arg8: memref<128x128xf32, #tpu.memory_space<vmem>>, %arg9: memref<5248x128xf32, #tpu.memory_space<vmem_shared>>, %arg10: memref<!tpu.dma_semaphore, #tpu.memory_space<semaphore_mem>>) attributes {dimension_semantics = [#tpu.dimension_semantics<core_parallel>, #tpu.dimension_semantics<subcore_parallel>], iteration_bounds = array<i64: 2, 16>, scalar_prefetch = 0 : i64, scratch_operands = 5 : i64, tpu.core_type = #tpu.core_type<sc_vector_subcore>, window_params = [{transform_indices = #map}, {transform_indices = #map1}, {transform_indices = #map1}, {transform_indices = #map}]} {
    %mul3A = arith.constant 328 : i32
    %mul3A_0 = arith.muli %arg1, %mul3A : i32
    "tpu.region"() ({
      %run_scoped3A = tpu.sem_alloc : memref<!tpu.dma_semaphore, #tpu.memory_space<semaphore_mem>>
      %dma_start3A = arith.constant 0 : i32
      %dma_start3A_22 = tpu.memref_slice %arg9[%mul3A_0, %dma_start3A] : memref<5248x128xf32, #tpu.memory_space<vmem_shared>> -> memref<328x128xf32, #tpu.memory_space<vmem_shared>>
      tpu.enqueue_dma source(%arg4 : memref<328x128xf32, #tpu.memory_space<hbm>>) target(%dma_start3A_22 : memref<328x128xf32, #tpu.memory_space<vmem_shared>>) target_semaphore(%run_scoped3A : memref<!tpu.dma_semaphore, #tpu.memory_space<semaphore_mem>>)
      %dma_wait3A = arith.constant 0 : i32
      %dma_wait3A_23 = tpu.memref_slice %arg9[%mul3A_0, %dma_wait3A] : memref<5248x128xf32, #tpu.memory_space<vmem_shared>> -> memref<328x128xf32, #tpu.memory_space<vmem_shared>>
      tpu.wait_dma2 semaphore(%run_scoped3A : memref<!tpu.dma_semaphore, #tpu.memory_space<semaphore_mem>>) src(%arg4 : memref<328x128xf32, #tpu.memory_space<hbm>>) dst(%dma_wait3A_23 : memref<328x128xf32, #tpu.memory_space<vmem_shared>>)
      tpu.yield
    }) : () -> ()
    %barrier3A = arith.constant 0 : index
    tpu.barrier barrier_id(%barrier3A)
    %mul3A_1 = arith.constant 5120 : i32
    %mul3A_2 = arith.muli %arg0, %mul3A_1 : i32
    %sub3A = arith.constant 2500 : i32
    %sub3A_3 = arith.subi %sub3A, %arg1 : i32
    %sub3A_4 = arith.constant 16 : i32
    %sub3A_5 = arith.constant 1 : i32
    %sub3A_6 = arith.subi %sub3A_4, %sub3A_5 : i32
    %add3A = arith.addi %sub3A_3, %sub3A_6 : i32
    %div3A = arith.constant 16 : i32
    %div3A_7 = arith.divsi %add3A, %div3A : i32
    %while3A = arith.constant 16 : i32
    %while3A_8 = arith.constant 0 : i32
    %while3A_9 = arith.subi %div3A_7, %while3A_8 : i32
    %while3A_10 = arith.addi %while3A_8, %while3A_9 : i32
    %while3A_11 = arith.constant 1 : i32
    %while3A_12 = arith.divsi %while3A_9, %while3A_11 : i32
    %while3A_13 = arith.muli %while3A_12, %while3A_11 : i32
    %while3A_14 = arith.addi %while3A_8, %while3A_13 : i32
    %while3A_15 = arith.constant 1 : i32
    scf.for %while3A_22 = %while3A_8 to %while3A_14 step %while3A_15  : i32 {
      %mul3A_23 = arith.muli %while3A_22, %while3A : i32
      %add3A_24 = arith.addi %arg1, %mul3A_23 : i32
      "tpu.region"() ({
        %run_scoped3A = tpu.sem_alloc : memref<!tpu.dma_semaphore, #tpu.memory_space<semaphore_mem>>
        %dma_start3A_197 = arith.constant 0 : i32
        %dma_start3A_198 = arith.constant 0 : i32
        %dma_start3A_199 = tpu.memref_slice %arg2[%add3A_24, %dma_start3A_197, %dma_start3A_198] : memref<2500x2x128xi32, #tpu.memory_space<hbm>> -> memref<1x2x128xi32, #tpu.memory_space<hbm>>
        %dma_start3A_200 = tpu.memref_squeeze %dma_start3A_199 : memref<1x2x128xi32, #tpu.memory_space<hbm>> -> memref<2x128xi32, #tpu.memory_space<hbm>>
        %dma_start3A_201 = arith.constant 0 : i32
        %dma_start3A_202 = arith.constant 0 : i32
        %dma_start3A_203 = tpu.memref_slice %arg2[%add3A_24, %dma_start3A_201, %dma_start3A_202] : memref<2500x2x128xi32, #tpu.memory_space<hbm>> -> memref<1x2x128xi32, #tpu.memory_space<hbm>>
        %dma_start3A_204 = tpu.memref_squeeze %dma_start3A_203 : memref<1x2x128xi32, #tpu.memory_space<hbm>> -> memref<2x128xi32, #tpu.memory_space<hbm>>
        tpu.enqueue_dma source(%dma_start3A_204 : memref<2x128xi32, #tpu.memory_space<hbm>>) target(%arg6 : memref<2x128xi32, #tpu.memory_space<vmem>>) target_semaphore(%run_scoped3A : memref<!tpu.dma_semaphore, #tpu.memory_space<semaphore_mem>>)
        %dma_wait3A_205 = arith.constant 0 : i32
        %dma_wait3A_206 = arith.constant 0 : i32
        %dma_wait3A_207 = tpu.memref_slice %arg2[%add3A_24, %dma_wait3A_205, %dma_wait3A_206] : memref<2500x2x128xi32, #tpu.memory_space<hbm>> -> memref<1x2x128xi32, #tpu.memory_space<hbm>>
        %dma_wait3A_208 = tpu.memref_squeeze %dma_wait3A_207 : memref<1x2x128xi32, #tpu.memory_space<hbm>> -> memref<2x128xi32, #tpu.memory_space<hbm>>
        %dma_wait3A_209 = arith.constant 0 : i32
        %dma_wait3A_210 = arith.constant 0 : i32
        %dma_wait3A_211 = tpu.memref_slice %arg2[%add3A_24, %dma_wait3A_209, %dma_wait3A_210] : memref<2500x2x128xi32, #tpu.memory_space<hbm>> -> memref<1x2x128xi32, #tpu.memory_space<hbm>>
        %dma_wait3A_212 = tpu.memref_squeeze %dma_wait3A_211 : memref<1x2x128xi32, #tpu.memory_space<hbm>> -> memref<2x128xi32, #tpu.memory_space<hbm>>
        tpu.wait_dma2 semaphore(%run_scoped3A : memref<!tpu.dma_semaphore, #tpu.memory_space<semaphore_mem>>) src(%dma_wait3A_212 : memref<2x128xi32, #tpu.memory_space<hbm>>) dst(%arg6 : memref<2x128xi32, #tpu.memory_space<vmem>>)
        tpu.yield
      }) : () -> ()
      %dma_start3A = arith.constant 0 : i32
      %dma_start3A_25 = arith.constant 0 : i32
      %dma_start3A_26 = tpu.memref_slice %arg6[%dma_start3A, %dma_start3A_25] : memref<2x128xi32, #tpu.memory_space<vmem>> -> memref<1x128xi32, #tpu.memory_space<vmem>>
      %dma_start3A_27 = tpu.memref_squeeze %dma_start3A_26 : memref<1x128xi32, #tpu.memory_space<vmem>> -> memref<128xi32, #tpu.memory_space<vmem>>
      %dma_start3A_28 = arith.constant 0 : i32
      %dma_start3A_29 = arith.constant 0 : i32
      %dma_start3A_30 = tpu.memref_slice %arg3[%dma_start3A_28, %dma_start3A_29] : memref<10240x128xf32, #tpu.memory_space<hbm>> -> memref<10240x128xf32, #tpu.memory_space<hbm>>
      tpu.enqueue_indirect_dma source(%dma_start3A_30 : memref<10240x128xf32, #tpu.memory_space<hbm>>) target(%arg8 : memref<128x128xf32, #tpu.memory_space<vmem>>) offsets(%dma_start3A_27 : memref<128xi32, #tpu.memory_space<vmem>>) semaphore(%arg10 : memref<!tpu.dma_semaphore, #tpu.memory_space<semaphore_mem>>)
      %get3A = arith.constant 1 : i32
      %get3A_31 = arith.index_cast %get3A : i32 to index
      %get3A_32 = arith.constant 0 : index
      %get3A_33 = tpu.vector_load %arg6[%get3A_31, %get3A_32] {strides = array<i32>} : memref<2x128xi32, #tpu.memory_space<vmem>>, vector<1x16xi32>,
      %get3A_34 = vector.shape_cast %get3A_33 : vector<1x16xi32> to vector<16xi32>
      %sub3A_35 = vector.broadcast %mul3A_2 : i32 to vector<16xi32>
      %sub3A_36 = arith.subi %get3A_34, %sub3A_35 : vector<16xi32>
      %ge3A = arith.constant 0 : i32
      %ge3A_37 = vector.broadcast %ge3A : i32 to vector<16xi32>
      %ge3A_38 = arith.cmpi sge, %sub3A_36, %ge3A_37 : vector<16xi32>
      %lt3A = arith.constant 5120 : i32
      %lt3A_39 = vector.broadcast %lt3A : i32 to vector<16xi32>
      %lt3A_40 = arith.cmpi slt, %sub3A_36, %lt3A_39 : vector<16xi32>
      %and3A = arith.andi %ge3A_38, %lt3A_40 : vector<16xi1>
      %jit3A = arith.constant 5120 : i32
      %broadcast_in_dim3A = vector.broadcast %jit3A : i32 to vector<16xi32>
      %select_n3A = arith.select %and3A, %sub3A_36, %broadcast_in_dim3A : vector<16xi1>, vector<16xi32>
      %swap3A = arith.constant 0 : index
      %swap3A_41 = tpu.vector_load %arg7[%swap3A] {strides = array<i32>} : memref<128xi32, #tpu.memory_space<vmem>>, vector<16xi32>,
      %swap3A_42 = vector.shape_cast %swap3A_41 : vector<16xi32> to vector<16xi32>
      %swap3A_43 = vector.shape_cast %select_n3A : vector<16xi32> to vector<16xi32>
      tpu.vector_store %arg7[%swap3A], %swap3A_43 {strides = array<i32>} : memref<128xi32, #tpu.memory_space<vmem>>, vector<16xi32>,
      %get3A_44 = arith.constant 1 : i32
      %get3A_45 = arith.index_cast %get3A_44 : i32 to index
      %get3A_46 = arith.constant 16 : index
      %get3A_47 = tpu.vector_load %arg6[%get3A_45, %get3A_46] {strides = array<i32>} : memref<2x128xi32, #tpu.memory_space<vmem>>, vector<1x16xi32>,
      %get3A_48 = vector.shape_cast %get3A_47 : vector<1x16xi32> to vector<16xi32>
      %sub3A_49 = vector.broadcast %mul3A_2 : i32 to vector<16xi32>
      %sub3A_50 = arith.subi %get3A_48, %sub3A_49 : vector<16xi32>
      %ge3A_51 = arith.constant 0 : i32
      %ge3A_52 = vector.broadcast %ge3A_51 : i32 to vector<16xi32>
      %ge3A_53 = arith.cmpi sge, %sub3A_50, %ge3A_52 : vector<16xi32>
      %lt3A_54 = arith.constant 5120 : i32
      %lt3A_55 = vector.broadcast %lt3A_54 : i32 to vector<16xi32>
      %lt3A_56 = arith.cmpi slt, %sub3A_50, %lt3A_55 : vector<16xi32>
      %and3A_57 = arith.andi %ge3A_53, %lt3A_56 : vector<16xi1>
      %jit3A_58 = arith.constant 5120 : i32
      %broadcast_in_dim3A_59 = vector.broadcast %jit3A_58 : i32 to vector<16xi32>
      %select_n3A_60 = arith.select %and3A_57, %sub3A_50, %broadcast_in_dim3A_59 : vector<16xi1>, vector<16xi32>
      %swap3A_61 = arith.constant 16 : index
      %swap3A_62 = tpu.vector_load %arg7[%swap3A_61] {strides = array<i32>} : memref<128xi32, #tpu.memory_space<vmem>>, vector<16xi32>,
      %swap3A_63 = vector.shape_cast %swap3A_62 : vector<16xi32> to vector<16xi32>
      %swap3A_64 = vector.shape_cast %select_n3A_60 : vector<16xi32> to vector<16xi32>
      tpu.vector_store %arg7[%swap3A_61], %swap3A_64 {strides = array<i32>} : memref<128xi32, #tpu.memory_space<vmem>>, vector<16xi32>,
      %get3A_65 = arith.constant 1 : i32
      %get3A_66 = arith.index_cast %get3A_65 : i32 to index
      %get3A_67 = arith.constant 32 : index
      %get3A_68 = tpu.vector_load %arg6[%get3A_66, %get3A_67] {strides = array<i32>} : memref<2x128xi32, #tpu.memory_space<vmem>>, vector<1x16xi32>,
      %get3A_69 = vector.shape_cast %get3A_68 : vector<1x16xi32> to vector<16xi32>
      %sub3A_70 = vector.broadcast %mul3A_2 : i32 to vector<16xi32>
      %sub3A_71 = arith.subi %get3A_69, %sub3A_70 : vector<16xi32>
      %ge3A_72 = arith.constant 0 : i32
      %ge3A_73 = vector.broadcast %ge3A_72 : i32 to vector<16xi32>
      %ge3A_74 = arith.cmpi sge, %sub3A_71, %ge3A_73 : vector<16xi32>
      %lt3A_75 = arith.constant 5120 : i32
      %lt3A_76 = vector.broadcast %lt3A_75 : i32 to vector<16xi32>
      %lt3A_77 = arith.cmpi slt, %sub3A_71, %lt3A_76 : vector<16xi32>
      %and3A_78 = arith.andi %ge3A_74, %lt3A_77 : vector<16xi1>
      %jit3A_79 = arith.constant 5120 : i32
      %broadcast_in_dim3A_80 = vector.broadcast %jit3A_79 : i32 to vector<16xi32>
      %select_n3A_81 = arith.select %and3A_78, %sub3A_71, %broadcast_in_dim3A_80 : vector<16xi1>, vector<16xi32>
      %swap3A_82 = arith.constant 32 : index
      %swap3A_83 = tpu.vector_load %arg7[%swap3A_82] {strides = array<i32>} : memref<128xi32, #tpu.memory_space<vmem>>, vector<16xi32>,
      %swap3A_84 = vector.shape_cast %swap3A_83 : vector<16xi32> to vector<16xi32>
      %swap3A_85 = vector.shape_cast %select_n3A_81 : vector<16xi32> to vector<16xi32>
      tpu.vector_store %arg7[%swap3A_82], %swap3A_85 {strides = array<i32>} : memref<128xi32, #tpu.memory_space<vmem>>, vector<16xi32>,
      %get3A_86 = arith.constant 1 : i32
      %get3A_87 = arith.index_cast %get3A_86 : i32 to index
      %get3A_88 = arith.constant 48 : index
      %get3A_89 = tpu.vector_load %arg6[%get3A_87, %get3A_88] {strides = array<i32>} : memref<2x128xi32, #tpu.memory_space<vmem>>, vector<1x16xi32>,
      %get3A_90 = vector.shape_cast %get3A_89 : vector<1x16xi32> to vector<16xi32>
      %sub3A_91 = vector.broadcast %mul3A_2 : i32 to vector<16xi32>
      %sub3A_92 = arith.subi %get3A_90, %sub3A_91 : vector<16xi32>
      %ge3A_93 = arith.constant 0 : i32
      %ge3A_94 = vector.broadcast %ge3A_93 : i32 to vector<16xi32>
      %ge3A_95 = arith.cmpi sge, %sub3A_92, %ge3A_94 : vector<16xi32>
      %lt3A_96 = arith.constant 5120 : i32
      %lt3A_97 = vector.broadcast %lt3A_96 : i32 to vector<16xi32>
      %lt3A_98 = arith.cmpi slt, %sub3A_92, %lt3A_97 : vector<16xi32>
      %and3A_99 = arith.andi %ge3A_95, %lt3A_98 : vector<16xi1>
      %jit3A_100 = arith.constant 5120 : i32
      %broadcast_in_dim3A_101 = vector.broadcast %jit3A_100 : i32 to vector<16xi32>
      %select_n3A_102 = arith.select %and3A_99, %sub3A_92, %broadcast_in_dim3A_101 : vector<16xi1>, vector<16xi32>
      %swap3A_103 = arith.constant 48 : index
      %swap3A_104 = tpu.vector_load %arg7[%swap3A_103] {strides = array<i32>} : memref<128xi32, #tpu.memory_space<vmem>>, vector<16xi32>,
      %swap3A_105 = vector.shape_cast %swap3A_104 : vector<16xi32> to vector<16xi32>
      %swap3A_106 = vector.shape_cast %select_n3A_102 : vector<16xi32> to vector<16xi32>
      tpu.vector_store %arg7[%swap3A_103], %swap3A_106 {strides = array<i32>} : memref<128xi32, #tpu.memory_space<vmem>>, vector<16xi32>,
      %get3A_107 = arith.constant 1 : i32
      %get3A_108 = arith.index_cast %get3A_107 : i32 to index
      %get3A_109 = arith.constant 64 : index
      %get3A_110 = tpu.vector_load %arg6[%get3A_108, %get3A_109] {strides = array<i32>} : memref<2x128xi32, #tpu.memory_space<vmem>>, vector<1x16xi32>,
      %get3A_111 = vector.shape_cast %get3A_110 : vector<1x16xi32> to vector<16xi32>
      %sub3A_112 = vector.broadcast %mul3A_2 : i32 to vector<16xi32>
      %sub3A_113 = arith.subi %get3A_111, %sub3A_112 : vector<16xi32>
      %ge3A_114 = arith.constant 0 : i32
      %ge3A_115 = vector.broadcast %ge3A_114 : i32 to vector<16xi32>
      %ge3A_116 = arith.cmpi sge, %sub3A_113, %ge3A_115 : vector<16xi32>
      %lt3A_117 = arith.constant 5120 : i32
      %lt3A_118 = vector.broadcast %lt3A_117 : i32 to vector<16xi32>
      %lt3A_119 = arith.cmpi slt, %sub3A_113, %lt3A_118 : vector<16xi32>
      %and3A_120 = arith.andi %ge3A_116, %lt3A_119 : vector<16xi1>
      %jit3A_121 = arith.constant 5120 : i32
      %broadcast_in_dim3A_122 = vector.broadcast %jit3A_121 : i32 to vector<16xi32>
      %select_n3A_123 = arith.select %and3A_120, %sub3A_113, %broadcast_in_dim3A_122 : vector<16xi1>, vector<16xi32>
      %swap3A_124 = arith.constant 64 : index
      %swap3A_125 = tpu.vector_load %arg7[%swap3A_124] {strides = array<i32>} : memref<128xi32, #tpu.memory_space<vmem>>, vector<16xi32>,
      %swap3A_126 = vector.shape_cast %swap3A_125 : vector<16xi32> to vector<16xi32>
      %swap3A_127 = vector.shape_cast %select_n3A_123 : vector<16xi32> to vector<16xi32>
      tpu.vector_store %arg7[%swap3A_124], %swap3A_127 {strides = array<i32>} : memref<128xi32, #tpu.memory_space<vmem>>, vector<16xi32>,
      %get3A_128 = arith.constant 1 : i32
      %get3A_129 = arith.index_cast %get3A_128 : i32 to index
      %get3A_130 = arith.constant 80 : index
      %get3A_131 = tpu.vector_load %arg6[%get3A_129, %get3A_130] {strides = array<i32>} : memref<2x128xi32, #tpu.memory_space<vmem>>, vector<1x16xi32>,
      %get3A_132 = vector.shape_cast %get3A_131 : vector<1x16xi32> to vector<16xi32>
      %sub3A_133 = vector.broadcast %mul3A_2 : i32 to vector<16xi32>
      %sub3A_134 = arith.subi %get3A_132, %sub3A_133 : vector<16xi32>
      %ge3A_135 = arith.constant 0 : i32
      %ge3A_136 = vector.broadcast %ge3A_135 : i32 to vector<16xi32>
      %ge3A_137 = arith.cmpi sge, %sub3A_134, %ge3A_136 : vector<16xi32>
      %lt3A_138 = arith.constant 5120 : i32
      %lt3A_139 = vector.broadcast %lt3A_138 : i32 to vector<16xi32>
      %lt3A_140 = arith.cmpi slt, %sub3A_134, %lt3A_139 : vector<16xi32>
      %and3A_141 = arith.andi %ge3A_137, %lt3A_140 : vector<16xi1>
      %jit3A_142 = arith.constant 5120 : i32
      %broadcast_in_dim3A_143 = vector.broadcast %jit3A_142 : i32 to vector<16xi32>
      %select_n3A_144 = arith.select %and3A_141, %sub3A_134, %broadcast_in_dim3A_143 : vector<16xi1>, vector<16xi32>
      %swap3A_145 = arith.constant 80 : index
      %swap3A_146 = tpu.vector_load %arg7[%swap3A_145] {strides = array<i32>} : memref<128xi32, #tpu.memory_space<vmem>>, vector<16xi32>,
      %swap3A_147 = vector.shape_cast %swap3A_146 : vector<16xi32> to vector<16xi32>
      %swap3A_148 = vector.shape_cast %select_n3A_144 : vector<16xi32> to vector<16xi32>
      tpu.vector_store %arg7[%swap3A_145], %swap3A_148 {strides = array<i32>} : memref<128xi32, #tpu.memory_space<vmem>>, vector<16xi32>,
      %get3A_149 = arith.constant 1 : i32
      %get3A_150 = arith.index_cast %get3A_149 : i32 to index
      %get3A_151 = arith.constant 96 : index
      %get3A_152 = tpu.vector_load %arg6[%get3A_150, %get3A_151] {strides = array<i32>} : memref<2x128xi32, #tpu.memory_space<vmem>>, vector<1x16xi32>,
      %get3A_153 = vector.shape_cast %get3A_152 : vector<1x16xi32> to vector<16xi32>
      %sub3A_154 = vector.broadcast %mul3A_2 : i32 to vector<16xi32>
      %sub3A_155 = arith.subi %get3A_153, %sub3A_154 : vector<16xi32>
      %ge3A_156 = arith.constant 0 : i32
      %ge3A_157 = vector.broadcast %ge3A_156 : i32 to vector<16xi32>
      %ge3A_158 = arith.cmpi sge, %sub3A_155, %ge3A_157 : vector<16xi32>
      %lt3A_159 = arith.constant 5120 : i32
      %lt3A_160 = vector.broadcast %lt3A_159 : i32 to vector<16xi32>
      %lt3A_161 = arith.cmpi slt, %sub3A_155, %lt3A_160 : vector<16xi32>
      %and3A_162 = arith.andi %ge3A_158, %lt3A_161 : vector<16xi1>
      %jit3A_163 = arith.constant 5120 : i32
      %broadcast_in_dim3A_164 = vector.broadcast %jit3A_163 : i32 to vector<16xi32>
      %select_n3A_165 = arith.select %and3A_162, %sub3A_155, %broadcast_in_dim3A_164 : vector<16xi1>, vector<16xi32>
      %swap3A_166 = arith.constant 96 : index
      %swap3A_167 = tpu.vector_load %arg7[%swap3A_166] {strides = array<i32>} : memref<128xi32, #tpu.memory_space<vmem>>, vector<16xi32>,
      %swap3A_168 = vector.shape_cast %swap3A_167 : vector<16xi32> to vector<16xi32>
      %swap3A_169 = vector.shape_cast %select_n3A_165 : vector<16xi32> to vector<16xi32>
      tpu.vector_store %arg7[%swap3A_166], %swap3A_169 {strides = array<i32>} : memref<128xi32, #tpu.memory_space<vmem>>, vector<16xi32>,
      %get3A_170 = arith.constant 1 : i32
      %get3A_171 = arith.index_cast %get3A_170 : i32 to index
      %get3A_172 = arith.constant 112 : index
      %get3A_173 = tpu.vector_load %arg6[%get3A_171, %get3A_172] {strides = array<i32>} : memref<2x128xi32, #tpu.memory_space<vmem>>, vector<1x16xi32>,
      %get3A_174 = vector.shape_cast %get3A_173 : vector<1x16xi32> to vector<16xi32>
      %sub3A_175 = vector.broadcast %mul3A_2 : i32 to vector<16xi32>
      %sub3A_176 = arith.subi %get3A_174, %sub3A_175 : vector<16xi32>
      %ge3A_177 = arith.constant 0 : i32
      %ge3A_178 = vector.broadcast %ge3A_177 : i32 to vector<16xi32>
      %ge3A_179 = arith.cmpi sge, %sub3A_176, %ge3A_178 : vector<16xi32>
      %lt3A_180 = arith.constant 5120 : i32
      %lt3A_181 = vector.broadcast %lt3A_180 : i32 to vector<16xi32>
      %lt3A_182 = arith.cmpi slt, %sub3A_176, %lt3A_181 : vector<16xi32>
      %and3A_183 = arith.andi %ge3A_179, %lt3A_182 : vector<16xi1>
      %jit3A_184 = arith.constant 5120 : i32
      %broadcast_in_dim3A_185 = vector.broadcast %jit3A_184 : i32 to vector<16xi32>
      %select_n3A_186 = arith.select %and3A_183, %sub3A_176, %broadcast_in_dim3A_185 : vector<16xi1>, vector<16xi32>
      %swap3A_187 = arith.constant 112 : index
      %swap3A_188 = tpu.vector_load %arg7[%swap3A_187] {strides = array<i32>} : memref<128xi32, #tpu.memory_space<vmem>>, vector<16xi32>,
      %swap3A_189 = vector.shape_cast %swap3A_188 : vector<16xi32> to vector<16xi32>
      %swap3A_190 = vector.shape_cast %select_n3A_186 : vector<16xi32> to vector<16xi32>
      tpu.vector_store %arg7[%swap3A_187], %swap3A_190 {strides = array<i32>} : memref<128xi32, #tpu.memory_space<vmem>>, vector<16xi32>,
      %dma_wait3A = arith.constant 0 : i32
      %dma_wait3A_191 = arith.constant 0 : i32
      %dma_wait3A_192 = tpu.memref_slice %arg6[%dma_wait3A, %dma_wait3A_191] : memref<2x128xi32, #tpu.memory_space<vmem>> -> memref<1x128xi32, #tpu.memory_space<vmem>>
      %dma_wait3A_193 = tpu.memref_squeeze %dma_wait3A_192 : memref<1x128xi32, #tpu.memory_space<vmem>> -> memref<128xi32, #tpu.memory_space<vmem>>
      %dma_wait3A_194 = arith.constant 0 : i32
      %dma_wait3A_195 = arith.constant 0 : i32
      %dma_wait3A_196 = tpu.memref_slice %arg3[%dma_wait3A_194, %dma_wait3A_195] : memref<10240x128xf32, #tpu.memory_space<hbm>> -> memref<10240x128xf32, #tpu.memory_space<hbm>>
      tpu.wait_indirect_dma semaphore(%arg10 : memref<!tpu.dma_semaphore, #tpu.memory_space<semaphore_mem>>) src(%dma_wait3A_196 : memref<10240x128xf32, #tpu.memory_space<hbm>>) dst(%arg8 : memref<128x128xf32, #tpu.memory_space<vmem>>)
      "tpu.region"() ({
        %run_scoped3A = tpu.sem_alloc : memref<!tpu.dma_semaphore, #tpu.memory_space<semaphore_mem>>
        %dma_start3A_197 = arith.constant 0 : i32
        %dma_start3A_198 = arith.constant 0 : i32
        %dma_start3A_199 = tpu.memref_slice %arg9[%dma_start3A_197, %dma_start3A_198] : memref<5248x128xf32, #tpu.memory_space<vmem_shared>> -> memref<5248x128xf32, #tpu.memory_space<vmem_shared>>
        tpu.enqueue_indirect_dma source(%arg8 : memref<128x128xf32, #tpu.memory_space<vmem>>) target(%dma_start3A_199 : memref<5248x128xf32, #tpu.memory_space<vmem_shared>>) offsets(%arg7 : memref<128xi32, #tpu.memory_space<vmem>>) semaphore(%run_scoped3A : memref<!tpu.dma_semaphore, #tpu.memory_space<semaphore_mem>>) {add = true}
        %dma_wait3A_200 = arith.constant 0 : i32
        %dma_wait3A_201 = arith.constant 0 : i32
        %dma_wait3A_202 = tpu.memref_slice %arg9[%dma_wait3A_200, %dma_wait3A_201] : memref<5248x128xf32, #tpu.memory_space<vmem_shared>> -> memref<5248x128xf32, #tpu.memory_space<vmem_shared>>
        tpu.wait_indirect_dma semaphore(%run_scoped3A : memref<!tpu.dma_semaphore, #tpu.memory_space<semaphore_mem>>) src(%arg8 : memref<128x128xf32, #tpu.memory_space<vmem>>) dst(%dma_wait3A_202 : memref<5248x128xf32, #tpu.memory_space<vmem_shared>>)
        tpu.yield
      }) : () -> ()
    }
    %while3A_16 = arith.constant 1 : i32
    scf.for %while3A_22 = %while3A_14 to %while3A_10 step %while3A_16  : i32 {
      %mul3A_23 = arith.muli %while3A_22, %while3A : i32
      %add3A_24 = arith.addi %arg1, %mul3A_23 : i32
      "tpu.region"() ({
        %run_scoped3A = tpu.sem_alloc : memref<!tpu.dma_semaphore, #tpu.memory_space<semaphore_mem>>
        %dma_start3A_197 = arith.constant 0 : i32
        %dma_start3A_198 = arith.constant 0 : i32
        %dma_start3A_199 = tpu.memref_slice %arg2[%add3A_24, %dma_start3A_197, %dma_start3A_198] : memref<2500x2x128xi32, #tpu.memory_space<hbm>> -> memref<1x2x128xi32, #tpu.memory_space<hbm>>
        %dma_start3A_200 = tpu.memref_squeeze %dma_start3A_199 : memref<1x2x128xi32, #tpu.memory_space<hbm>> -> memref<2x128xi32, #tpu.memory_space<hbm>>
        %dma_start3A_201 = arith.constant 0 : i32
        %dma_start3A_202 = arith.constant 0 : i32
        %dma_start3A_203 = tpu.memref_slice %arg2[%add3A_24, %dma_start3A_201, %dma_start3A_202] : memref<2500x2x128xi32, #tpu.memory_space<hbm>> -> memref<1x2x128xi32, #tpu.memory_space<hbm>>
        %dma_start3A_204 = tpu.memref_squeeze %dma_start3A_203 : memref<1x2x128xi32, #tpu.memory_space<hbm>> -> memref<2x128xi32, #tpu.memory_space<hbm>>
        tpu.enqueue_dma source(%dma_start3A_204 : memref<2x128xi32, #tpu.memory_space<hbm>>) target(%arg6 : memref<2x128xi32, #tpu.memory_space<vmem>>) target_semaphore(%run_scoped3A : memref<!tpu.dma_semaphore, #tpu.memory_space<semaphore_mem>>)
        %dma_wait3A_205 = arith.constant 0 : i32
        %dma_wait3A_206 = arith.constant 0 : i32
        %dma_wait3A_207 = tpu.memref_slice %arg2[%add3A_24, %dma_wait3A_205, %dma_wait3A_206] : memref<2500x2x128xi32, #tpu.memory_space<hbm>> -> memref<1x2x128xi32, #tpu.memory_space<hbm>>
        %dma_wait3A_208 = tpu.memref_squeeze %dma_wait3A_207 : memref<1x2x128xi32, #tpu.memory_space<hbm>> -> memref<2x128xi32, #tpu.memory_space<hbm>>
        %dma_wait3A_209 = arith.constant 0 : i32
        %dma_wait3A_210 = arith.constant 0 : i32
        %dma_wait3A_211 = tpu.memref_slice %arg2[%add3A_24, %dma_wait3A_209, %dma_wait3A_210] : memref<2500x2x128xi32, #tpu.memory_space<hbm>> -> memref<1x2x128xi32, #tpu.memory_space<hbm>>
        %dma_wait3A_212 = tpu.memref_squeeze %dma_wait3A_211 : memref<1x2x128xi32, #tpu.memory_space<hbm>> -> memref<2x128xi32, #tpu.memory_space<hbm>>
        tpu.wait_dma2 semaphore(%run_scoped3A : memref<!tpu.dma_semaphore, #tpu.memory_space<semaphore_mem>>) src(%dma_wait3A_212 : memref<2x128xi32, #tpu.memory_space<hbm>>) dst(%arg6 : memref<2x128xi32, #tpu.memory_space<vmem>>)
        tpu.yield
      }) : () -> ()
      %dma_start3A = arith.constant 0 : i32
      %dma_start3A_25 = arith.constant 0 : i32
      %dma_start3A_26 = tpu.memref_slice %arg6[%dma_start3A, %dma_start3A_25] : memref<2x128xi32, #tpu.memory_space<vmem>> -> memref<1x128xi32, #tpu.memory_space<vmem>>
      %dma_start3A_27 = tpu.memref_squeeze %dma_start3A_26 : memref<1x128xi32, #tpu.memory_space<vmem>> -> memref<128xi32, #tpu.memory_space<vmem>>
      %dma_start3A_28 = arith.constant 0 : i32
      %dma_start3A_29 = arith.constant 0 : i32
      %dma_start3A_30 = tpu.memref_slice %arg3[%dma_start3A_28, %dma_start3A_29] : memref<10240x128xf32, #tpu.memory_space<hbm>> -> memref<10240x128xf32, #tpu.memory_space<hbm>>
      tpu.enqueue_indirect_dma source(%dma_start3A_30 : memref<10240x128xf32, #tpu.memory_space<hbm>>) target(%arg8 : memref<128x128xf32, #tpu.memory_space<vmem>>) offsets(%dma_start3A_27 : memref<128xi32, #tpu.memory_space<vmem>>) semaphore(%arg10 : memref<!tpu.dma_semaphore, #tpu.memory_space<semaphore_mem>>)
      %get3A = arith.constant 1 : i32
      %get3A_31 = arith.index_cast %get3A : i32 to index
      %get3A_32 = arith.constant 0 : index
      %get3A_33 = tpu.vector_load %arg6[%get3A_31, %get3A_32] {strides = array<i32>} : memref<2x128xi32, #tpu.memory_space<vmem>>, vector<1x16xi32>,
      %get3A_34 = vector.shape_cast %get3A_33 : vector<1x16xi32> to vector<16xi32>
      %sub3A_35 = vector.broadcast %mul3A_2 : i32 to vector<16xi32>
      %sub3A_36 = arith.subi %get3A_34, %sub3A_35 : vector<16xi32>
      %ge3A = arith.constant 0 : i32
      %ge3A_37 = vector.broadcast %ge3A : i32 to vector<16xi32>
      %ge3A_38 = arith.cmpi sge, %sub3A_36, %ge3A_37 : vector<16xi32>
      %lt3A = arith.constant 5120 : i32
      %lt3A_39 = vector.broadcast %lt3A : i32 to vector<16xi32>
      %lt3A_40 = arith.cmpi slt, %sub3A_36, %lt3A_39 : vector<16xi32>
      %and3A = arith.andi %ge3A_38, %lt3A_40 : vector<16xi1>
      %jit3A = arith.constant 5120 : i32
      %broadcast_in_dim3A = vector.broadcast %jit3A : i32 to vector<16xi32>
      %select_n3A = arith.select %and3A, %sub3A_36, %broadcast_in_dim3A : vector<16xi1>, vector<16xi32>
      %swap3A = arith.constant 0 : index
      %swap3A_41 = tpu.vector_load %arg7[%swap3A] {strides = array<i32>} : memref<128xi32, #tpu.memory_space<vmem>>, vector<16xi32>,
      %swap3A_42 = vector.shape_cast %swap3A_41 : vector<16xi32> to vector<16xi32>
      %swap3A_43 = vector.shape_cast %select_n3A : vector<16xi32> to vector<16xi32>
      tpu.vector_store %arg7[%swap3A], %swap3A_43 {strides = array<i32>} : memref<128xi32, #tpu.memory_space<vmem>>, vector<16xi32>,
      %get3A_44 = arith.constant 1 : i32
      %get3A_45 = arith.index_cast %get3A_44 : i32 to index
      %get3A_46 = arith.constant 16 : index
      %get3A_47 = tpu.vector_load %arg6[%get3A_45, %get3A_46] {strides = array<i32>} : memref<2x128xi32, #tpu.memory_space<vmem>>, vector<1x16xi32>,
      %get3A_48 = vector.shape_cast %get3A_47 : vector<1x16xi32> to vector<16xi32>
      %sub3A_49 = vector.broadcast %mul3A_2 : i32 to vector<16xi32>
      %sub3A_50 = arith.subi %get3A_48, %sub3A_49 : vector<16xi32>
      %ge3A_51 = arith.constant 0 : i32
      %ge3A_52 = vector.broadcast %ge3A_51 : i32 to vector<16xi32>
      %ge3A_53 = arith.cmpi sge, %sub3A_50, %ge3A_52 : vector<16xi32>
      %lt3A_54 = arith.constant 5120 : i32
      %lt3A_55 = vector.broadcast %lt3A_54 : i32 to vector<16xi32>
      %lt3A_56 = arith.cmpi slt, %sub3A_50, %lt3A_55 : vector<16xi32>
      %and3A_57 = arith.andi %ge3A_53, %lt3A_56 : vector<16xi1>
      %jit3A_58 = arith.constant 5120 : i32
      %broadcast_in_dim3A_59 = vector.broadcast %jit3A_58 : i32 to vector<16xi32>
      %select_n3A_60 = arith.select %and3A_57, %sub3A_50, %broadcast_in_dim3A_59 : vector<16xi1>, vector<16xi32>
      %swap3A_61 = arith.constant 16 : index
      %swap3A_62 = tpu.vector_load %arg7[%swap3A_61] {strides = array<i32>} : memref<128xi32, #tpu.memory_space<vmem>>, vector<16xi32>,
      %swap3A_63 = vector.shape_cast %swap3A_62 : vector<16xi32> to vector<16xi32>
      %swap3A_64 = vector.shape_cast %select_n3A_60 : vector<16xi32> to vector<16xi32>
      tpu.vector_store %arg7[%swap3A_61], %swap3A_64 {strides = array<i32>} : memref<128xi32, #tpu.memory_space<vmem>>, vector<16xi32>,
      %get3A_65 = arith.constant 1 : i32
      %get3A_66 = arith.index_cast %get3A_65 : i32 to index
      %get3A_67 = arith.constant 32 : index
      %get3A_68 = tpu.vector_load %arg6[%get3A_66, %get3A_67] {strides = array<i32>} : memref<2x128xi32, #tpu.memory_space<vmem>>, vector<1x16xi32>,
      %get3A_69 = vector.shape_cast %get3A_68 : vector<1x16xi32> to vector<16xi32>
      %sub3A_70 = vector.broadcast %mul3A_2 : i32 to vector<16xi32>
      %sub3A_71 = arith.subi %get3A_69, %sub3A_70 : vector<16xi32>
      %ge3A_72 = arith.constant 0 : i32
      %ge3A_73 = vector.broadcast %ge3A_72 : i32 to vector<16xi32>
      %ge3A_74 = arith.cmpi sge, %sub3A_71, %ge3A_73 : vector<16xi32>
      %lt3A_75 = arith.constant 5120 : i32
      %lt3A_76 = vector.broadcast %lt3A_75 : i32 to vector<16xi32>
      %lt3A_77 = arith.cmpi slt, %sub3A_71, %lt3A_76 : vector<16xi32>
      %and3A_78 = arith.andi %ge3A_74, %lt3A_77 : vector<16xi1>
      %jit3A_79 = arith.constant 5120 : i32
      %broadcast_in_dim3A_80 = vector.broadcast %jit3A_79 : i32 to vector<16xi32>
      %select_n3A_81 = arith.select %and3A_78, %sub3A_71, %broadcast_in_dim3A_80 : vector<16xi1>, vector<16xi32>
      %swap3A_82 = arith.constant 32 : index
      %swap3A_83 = tpu.vector_load %arg7[%swap3A_82] {strides = array<i32>} : memref<128xi32, #tpu.memory_space<vmem>>, vector<16xi32>,
      %swap3A_84 = vector.shape_cast %swap3A_83 : vector<16xi32> to vector<16xi32>
      %swap3A_85 = vector.shape_cast %select_n3A_81 : vector<16xi32> to vector<16xi32>
      tpu.vector_store %arg7[%swap3A_82], %swap3A_85 {strides = array<i32>} : memref<128xi32, #tpu.memory_space<vmem>>, vector<16xi32>,
      %get3A_86 = arith.constant 1 : i32
      %get3A_87 = arith.index_cast %get3A_86 : i32 to index
      %get3A_88 = arith.constant 48 : index
      %get3A_89 = tpu.vector_load %arg6[%get3A_87, %get3A_88] {strides = array<i32>} : memref<2x128xi32, #tpu.memory_space<vmem>>, vector<1x16xi32>,
      %get3A_90 = vector.shape_cast %get3A_89 : vector<1x16xi32> to vector<16xi32>
      %sub3A_91 = vector.broadcast %mul3A_2 : i32 to vector<16xi32>
      %sub3A_92 = arith.subi %get3A_90, %sub3A_91 : vector<16xi32>
      %ge3A_93 = arith.constant 0 : i32
      %ge3A_94 = vector.broadcast %ge3A_93 : i32 to vector<16xi32>
      %ge3A_95 = arith.cmpi sge, %sub3A_92, %ge3A_94 : vector<16xi32>
      %lt3A_96 = arith.constant 5120 : i32
      %lt3A_97 = vector.broadcast %lt3A_96 : i32 to vector<16xi32>
      %lt3A_98 = arith.cmpi slt, %sub3A_92, %lt3A_97 : vector<16xi32>
      %and3A_99 = arith.andi %ge3A_95, %lt3A_98 : vector<16xi1>
      %jit3A_100 = arith.constant 5120 : i32
      %broadcast_in_dim3A_101 = vector.broadcast %jit3A_100 : i32 to vector<16xi32>
      %select_n3A_102 = arith.select %and3A_99, %sub3A_92, %broadcast_in_dim3A_101 : vector<16xi1>, vector<16xi32>
      %swap3A_103 = arith.constant 48 : index
      %swap3A_104 = tpu.vector_load %arg7[%swap3A_103] {strides = array<i32>} : memref<128xi32, #tpu.memory_space<vmem>>, vector<16xi32>,
      %swap3A_105 = vector.shape_cast %swap3A_104 : vector<16xi32> to vector<16xi32>
      %swap3A_106 = vector.shape_cast %select_n3A_102 : vector<16xi32> to vector<16xi32>
      tpu.vector_store %arg7[%swap3A_103], %swap3A_106 {strides = array<i32>} : memref<128xi32, #tpu.memory_space<vmem>>, vector<16xi32>,
      %get3A_107 = arith.constant 1 : i32
      %get3A_108 = arith.index_cast %get3A_107 : i32 to index
      %get3A_109 = arith.constant 64 : index
      %get3A_110 = tpu.vector_load %arg6[%get3A_108, %get3A_109] {strides = array<i32>} : memref<2x128xi32, #tpu.memory_space<vmem>>, vector<1x16xi32>,
      %get3A_111 = vector.shape_cast %get3A_110 : vector<1x16xi32> to vector<16xi32>
      %sub3A_112 = vector.broadcast %mul3A_2 : i32 to vector<16xi32>
      %sub3A_113 = arith.subi %get3A_111, %sub3A_112 : vector<16xi32>
      %ge3A_114 = arith.constant 0 : i32
      %ge3A_115 = vector.broadcast %ge3A_114 : i32 to vector<16xi32>
      %ge3A_116 = arith.cmpi sge, %sub3A_113, %ge3A_115 : vector<16xi32>
      %lt3A_117 = arith.constant 5120 : i32
      %lt3A_118 = vector.broadcast %lt3A_117 : i32 to vector<16xi32>
      %lt3A_119 = arith.cmpi slt, %sub3A_113, %lt3A_118 : vector<16xi32>
      %and3A_120 = arith.andi %ge3A_116, %lt3A_119 : vector<16xi1>
      %jit3A_121 = arith.constant 5120 : i32
      %broadcast_in_dim3A_122 = vector.broadcast %jit3A_121 : i32 to vector<16xi32>
      %select_n3A_123 = arith.select %and3A_120, %sub3A_113, %broadcast_in_dim3A_122 : vector<16xi1>, vector<16xi32>
      %swap3A_124 = arith.constant 64 : index
      %swap3A_125 = tpu.vector_load %arg7[%swap3A_124] {strides = array<i32>} : memref<128xi32, #tpu.memory_space<vmem>>, vector<16xi32>,
      %swap3A_126 = vector.shape_cast %swap3A_125 : vector<16xi32> to vector<16xi32>
      %swap3A_127 = vector.shape_cast %select_n3A_123 : vector<16xi32> to vector<16xi32>
      tpu.vector_store %arg7[%swap3A_124], %swap3A_127 {strides = array<i32>} : memref<128xi32, #tpu.memory_space<vmem>>, vector<16xi32>,
      %get3A_128 = arith.constant 1 : i32
      %get3A_129 = arith.index_cast %get3A_128 : i32 to index
      %get3A_130 = arith.constant 80 : index
      %get3A_131 = tpu.vector_load %arg6[%get3A_129, %get3A_130] {strides = array<i32>} : memref<2x128xi32, #tpu.memory_space<vmem>>, vector<1x16xi32>,
      %get3A_132 = vector.shape_cast %get3A_131 : vector<1x16xi32> to vector<16xi32>
      %sub3A_133 = vector.broadcast %mul3A_2 : i32 to vector<16xi32>
      %sub3A_134 = arith.subi %get3A_132, %sub3A_133 : vector<16xi32>
      %ge3A_135 = arith.constant 0 : i32
      %ge3A_136 = vector.broadcast %ge3A_135 : i32 to vector<16xi32>
      %ge3A_137 = arith.cmpi sge, %sub3A_134, %ge3A_136 : vector<16xi32>
      %lt3A_138 = arith.constant 5120 : i32
      %lt3A_139 = vector.broadcast %lt3A_138 : i32 to vector<16xi32>
      %lt3A_140 = arith.cmpi slt, %sub3A_134, %lt3A_139 : vector<16xi32>
      %and3A_141 = arith.andi %ge3A_137, %lt3A_140 : vector<16xi1>
      %jit3A_142 = arith.constant 5120 : i32
      %broadcast_in_dim3A_143 = vector.broadcast %jit3A_142 : i32 to vector<16xi32>
      %select_n3A_144 = arith.select %and3A_141, %sub3A_134, %broadcast_in_dim3A_143 : vector<16xi1>, vector<16xi32>
      %swap3A_145 = arith.constant 80 : index
      %swap3A_146 = tpu.vector_load %arg7[%swap3A_145] {strides = array<i32>} : memref<128xi32, #tpu.memory_space<vmem>>, vector<16xi32>,
      %swap3A_147 = vector.shape_cast %swap3A_146 : vector<16xi32> to vector<16xi32>
      %swap3A_148 = vector.shape_cast %select_n3A_144 : vector<16xi32> to vector<16xi32>
      tpu.vector_store %arg7[%swap3A_145], %swap3A_148 {strides = array<i32>} : memref<128xi32, #tpu.memory_space<vmem>>, vector<16xi32>,
      %get3A_149 = arith.constant 1 : i32
      %get3A_150 = arith.index_cast %get3A_149 : i32 to index
      %get3A_151 = arith.constant 96 : index
      %get3A_152 = tpu.vector_load %arg6[%get3A_150, %get3A_151] {strides = array<i32>} : memref<2x128xi32, #tpu.memory_space<vmem>>, vector<1x16xi32>,
      %get3A_153 = vector.shape_cast %get3A_152 : vector<1x16xi32> to vector<16xi32>
      %sub3A_154 = vector.broadcast %mul3A_2 : i32 to vector<16xi32>
      %sub3A_155 = arith.subi %get3A_153, %sub3A_154 : vector<16xi32>
      %ge3A_156 = arith.constant 0 : i32
      %ge3A_157 = vector.broadcast %ge3A_156 : i32 to vector<16xi32>
      %ge3A_158 = arith.cmpi sge, %sub3A_155, %ge3A_157 : vector<16xi32>
      %lt3A_159 = arith.constant 5120 : i32
      %lt3A_160 = vector.broadcast %lt3A_159 : i32 to vector<16xi32>
      %lt3A_161 = arith.cmpi slt, %sub3A_155, %lt3A_160 : vector<16xi32>
      %and3A_162 = arith.andi %ge3A_158, %lt3A_161 : vector<16xi1>
      %jit3A_163 = arith.constant 5120 : i32
      %broadcast_in_dim3A_164 = vector.broadcast %jit3A_163 : i32 to vector<16xi32>
      %select_n3A_165 = arith.select %and3A_162, %sub3A_155, %broadcast_in_dim3A_164 : vector<16xi1>, vector<16xi32>
      %swap3A_166 = arith.constant 96 : index
      %swap3A_167 = tpu.vector_load %arg7[%swap3A_166] {strides = array<i32>} : memref<128xi32, #tpu.memory_space<vmem>>, vector<16xi32>,
      %swap3A_168 = vector.shape_cast %swap3A_167 : vector<16xi32> to vector<16xi32>
      %swap3A_169 = vector.shape_cast %select_n3A_165 : vector<16xi32> to vector<16xi32>
      tpu.vector_store %arg7[%swap3A_166], %swap3A_169 {strides = array<i32>} : memref<128xi32, #tpu.memory_space<vmem>>, vector<16xi32>,
      %get3A_170 = arith.constant 1 : i32
      %get3A_171 = arith.index_cast %get3A_170 : i32 to index
      %get3A_172 = arith.constant 112 : index
      %get3A_173 = tpu.vector_load %arg6[%get3A_171, %get3A_172] {strides = array<i32>} : memref<2x128xi32, #tpu.memory_space<vmem>>, vector<1x16xi32>,
      %get3A_174 = vector.shape_cast %get3A_173 : vector<1x16xi32> to vector<16xi32>
      %sub3A_175 = vector.broadcast %mul3A_2 : i32 to vector<16xi32>
      %sub3A_176 = arith.subi %get3A_174, %sub3A_175 : vector<16xi32>
      %ge3A_177 = arith.constant 0 : i32
      %ge3A_178 = vector.broadcast %ge3A_177 : i32 to vector<16xi32>
      %ge3A_179 = arith.cmpi sge, %sub3A_176, %ge3A_178 : vector<16xi32>
      %lt3A_180 = arith.constant 5120 : i32
      %lt3A_181 = vector.broadcast %lt3A_180 : i32 to vector<16xi32>
      %lt3A_182 = arith.cmpi slt, %sub3A_176, %lt3A_181 : vector<16xi32>
      %and3A_183 = arith.andi %ge3A_179, %lt3A_182 : vector<16xi1>
      %jit3A_184 = arith.constant 5120 : i32
      %broadcast_in_dim3A_185 = vector.broadcast %jit3A_184 : i32 to vector<16xi32>
      %select_n3A_186 = arith.select %and3A_183, %sub3A_176, %broadcast_in_dim3A_185 : vector<16xi1>, vector<16xi32>
      %swap3A_187 = arith.constant 112 : index
      %swap3A_188 = tpu.vector_load %arg7[%swap3A_187] {strides = array<i32>} : memref<128xi32, #tpu.memory_space<vmem>>, vector<16xi32>,
      %swap3A_189 = vector.shape_cast %swap3A_188 : vector<16xi32> to vector<16xi32>
      %swap3A_190 = vector.shape_cast %select_n3A_186 : vector<16xi32> to vector<16xi32>
      tpu.vector_store %arg7[%swap3A_187], %swap3A_190 {strides = array<i32>} : memref<128xi32, #tpu.memory_space<vmem>>, vector<16xi32>,
      %dma_wait3A = arith.constant 0 : i32
      %dma_wait3A_191 = arith.constant 0 : i32
      %dma_wait3A_192 = tpu.memref_slice %arg6[%dma_wait3A, %dma_wait3A_191] : memref<2x128xi32, #tpu.memory_space<vmem>> -> memref<1x128xi32, #tpu.memory_space<vmem>>
      %dma_wait3A_193 = tpu.memref_squeeze %dma_wait3A_192 : memref<1x128xi32, #tpu.memory_space<vmem>> -> memref<128xi32, #tpu.memory_space<vmem>>
      %dma_wait3A_194 = arith.constant 0 : i32
      %dma_wait3A_195 = arith.constant 0 : i32
      %dma_wait3A_196 = tpu.memref_slice %arg3[%dma_wait3A_194, %dma_wait3A_195] : memref<10240x128xf32, #tpu.memory_space<hbm>> -> memref<10240x128xf32, #tpu.memory_space<hbm>>
      tpu.wait_indirect_dma semaphore(%arg10 : memref<!tpu.dma_semaphore, #tpu.memory_space<semaphore_mem>>) src(%dma_wait3A_196 : memref<10240x128xf32, #tpu.memory_space<hbm>>) dst(%arg8 : memref<128x128xf32, #tpu.memory_space<vmem>>)
      "tpu.region"() ({
        %run_scoped3A = tpu.sem_alloc : memref<!tpu.dma_semaphore, #tpu.memory_space<semaphore_mem>>
        %dma_start3A_197 = arith.constant 0 : i32
        %dma_start3A_198 = arith.constant 0 : i32
        %dma_start3A_199 = tpu.memref_slice %arg9[%dma_start3A_197, %dma_start3A_198] : memref<5248x128xf32, #tpu.memory_space<vmem_shared>> -> memref<5248x128xf32, #tpu.memory_space<vmem_shared>>
        tpu.enqueue_indirect_dma source(%arg8 : memref<128x128xf32, #tpu.memory_space<vmem>>) target(%dma_start3A_199 : memref<5248x128xf32, #tpu.memory_space<vmem_shared>>) offsets(%arg7 : memref<128xi32, #tpu.memory_space<vmem>>) semaphore(%run_scoped3A : memref<!tpu.dma_semaphore, #tpu.memory_space<semaphore_mem>>) {add = true}
        %dma_wait3A_200 = arith.constant 0 : i32
        %dma_wait3A_201 = arith.constant 0 : i32
        %dma_wait3A_202 = tpu.memref_slice %arg9[%dma_wait3A_200, %dma_wait3A_201] : memref<5248x128xf32, #tpu.memory_space<vmem_shared>> -> memref<5248x128xf32, #tpu.memory_space<vmem_shared>>
        tpu.wait_indirect_dma semaphore(%run_scoped3A : memref<!tpu.dma_semaphore, #tpu.memory_space<semaphore_mem>>) src(%arg8 : memref<128x128xf32, #tpu.memory_space<vmem>>) dst(%dma_wait3A_202 : memref<5248x128xf32, #tpu.memory_space<vmem_shared>>)
        tpu.yield
      }) : () -> ()
    }
    %barrier3A_17 = arith.constant 0 : index
    tpu.barrier barrier_id(%barrier3A_17)
    %mul3A_18 = arith.constant 320 : i32
    %mul3A_19 = arith.muli %arg1, %mul3A_18 : i32
    %mul3A_20 = arith.constant 320 : i32
    %mul3A_21 = arith.muli %arg1, %mul3A_20 : i32
    "tpu.region"() ({
      %run_scoped3A = tpu.sem_alloc : memref<!tpu.dma_semaphore, #tpu.memory_space<semaphore_mem>>
      %dma_start3A = arith.constant 0 : i32
      %dma_start3A_22 = tpu.memref_slice %arg5[%arg0, %mul3A_21, %dma_start3A] : memref<2x5120x128xf32, #tpu.memory_space<hbm>> -> memref<1x320x128xf32, #tpu.memory_space<hbm>>
      %dma_start3A_23 = tpu.memref_squeeze %dma_start3A_22 : memref<1x320x128xf32, #tpu.memory_space<hbm>> -> memref<320x128xf32, #tpu.memory_space<hbm>>
      %dma_start3A_24 = arith.constant 0 : i32
      %dma_start3A_25 = tpu.memref_slice %arg9[%mul3A_19, %dma_start3A_24] : memref<5248x128xf32, #tpu.memory_space<vmem_shared>> -> memref<320x128xf32, #tpu.memory_space<vmem_shared>>
      tpu.enqueue_dma source(%dma_start3A_25 : memref<320x128xf32, #tpu.memory_space<vmem_shared>>) target(%dma_start3A_23 : memref<320x128xf32, #tpu.memory_space<hbm>>) target_semaphore(%run_scoped3A : memref<!tpu.dma_semaphore, #tpu.memory_space<semaphore_mem>>)
      %dma_wait3A = arith.constant 0 : i32
      %dma_wait3A_26 = tpu.memref_slice %arg5[%arg0, %mul3A_21, %dma_wait3A] : memref<2x5120x128xf32, #tpu.memory_space<hbm>> -> memref<1x320x128xf32, #tpu.memory_space<hbm>>
      %dma_wait3A_27 = tpu.memref_squeeze %dma_wait3A_26 : memref<1x320x128xf32, #tpu.memory_space<hbm>> -> memref<320x128xf32, #tpu.memory_space<hbm>>
      %dma_wait3A_28 = arith.constant 0 : i32
      %dma_wait3A_29 = tpu.memref_slice %arg9[%mul3A_19, %dma_wait3A_28] : memref<5248x128xf32, #tpu.memory_space<vmem_shared>> -> memref<320x128xf32, #tpu.memory_space<vmem_shared>>
      tpu.wait_dma2 semaphore(%run_scoped3A : memref<!tpu.dma_semaphore, #tpu.memory_space<semaphore_mem>>) src(%dma_wait3A_29 : memref<320x128xf32, #tpu.memory_space<vmem_shared>>) dst(%dma_wait3A_27 : memref<320x128xf32, #tpu.memory_space<hbm>>)
      tpu.yield
    }) : () -> ()
    return
  }
}

module attributes {stable_mosaic.version = 14 : i64} {
  func.func @_mm_body(%arg0: i32, %arg1: memref<1024x128xf32, #tpu.memory_space<vmem>>, %arg2: memref<128x128xf32, #tpu.memory_space<vmem>>, %arg3: memref<1024x128xf32, #tpu.memory_space<vmem>>) attributes {dimension_semantics = [#tpu.dimension_semantics<arbitrary>], iteration_bounds = array<i64: 10>, scalar_prefetch = 0 : i64, scratch_operands = 0 : i64, tpu.core_type = #tpu.core_type<tc>, window_params = [{transform_indices = @transform_0, window_bounds = array<i64: 1024, 128>}, {pipeline_mode = #tpu.pipeline_mode<synchronous>, transform_indices = @transform_1, window_bounds = array<i64: 128, 128>}, {transform_indices = @transform_2, window_bounds = array<i64: 1024, 128>}]} {
    %get3A = arith.constant 0 : index
    %get3A_0 = arith.constant 0 : index
    %get3A_1 = vector.load %arg1[%get3A, %get3A_0] : memref<1024x128xf32, #tpu.memory_space<vmem>>, vector<1024x128xf32>
    %get3A_2 = arith.constant 0 : index
    %get3A_3 = arith.constant 0 : index
    %get3A_4 = vector.load %arg2[%get3A_2, %get3A_3] : memref<128x128xf32, #tpu.memory_space<vmem>>, vector<128x128xf32>
    %dot_general3A = arith.constant dense<0.000000e+00> : vector<1024x128xf32>
    %dot_general3A_5 = tpu.matmul %get3A_1, %get3A_4, %dot_general3A {dimension_numbers = #tpu.dot_dimension_numbers<[1], [0], [0], [1], [0, 0, 1, 1], [], []>, transpose_lhs_hint = false} : vector<1024x128xf32>, vector<128x128xf32>, vector<1024x128xf32> -> vector<1024x128xf32>
    %swap3A = arith.constant 0 : index
    %swap3A_6 = arith.constant 0 : index
    %swap3A_7 = vector.load %arg3[%swap3A, %swap3A_6] : memref<1024x128xf32, #tpu.memory_space<vmem>>, vector<1024x128xf32>
    tpu.vector_store %arg3[%swap3A, %swap3A_6], %dot_general3A_5 {strides = array<i32>} : memref<1024x128xf32, #tpu.memory_space<vmem>>, vector<1024x128xf32>,
    return
  }
  func.func @transform_0(%arg0: i32) -> (i32, i32) {
    %c0_i32 = arith.constant 0 : i32
    %c0_i32_0 = arith.constant 0 : i32
    return %arg0, %c0_i32 : i32, i32
  }
  func.func @transform_1(%arg0: i32) -> (i32, i32) {
    %c0_i32 = arith.constant 0 : i32
    %c0_i32_0 = arith.constant 0 : i32
    %c0_i32_1 = arith.constant 0 : i32
    return %c0_i32, %c0_i32_0 : i32, i32
  }
  func.func @transform_2(%arg0: i32) -> (i32, i32) {
    %c0_i32 = arith.constant 0 : i32
    %c0_i32_0 = arith.constant 0 : i32
    return %arg0, %c0_i32 : i32, i32
  }
}

module attributes {stable_mosaic.version = 14 : i64} {
  func.func @_fused_body(%arg0: i32, %arg1: memref<1xf32, #tpu.memory_space<smem>>, %arg2: memref<1024x128xf32, #tpu.memory_space<vmem>>, %arg3: memref<1024x128xf32, #tpu.memory_space<vmem>>, %arg4: memref<1x128xf32, #tpu.memory_space<vmem>>, %arg5: memref<128x128xf32, #tpu.memory_space<vmem>>, %arg6: memref<1x128xf32, #tpu.memory_space<vmem>>, %arg7: memref<128x128xf32, #tpu.memory_space<vmem>>, %arg8: memref<1024x128xf32, #tpu.memory_space<vmem>>) attributes {dimension_semantics = [#tpu.dimension_semantics<arbitrary>], iteration_bounds = array<i64: 10>, scalar_prefetch = 0 : i64, scratch_operands = 0 : i64, tpu.core_type = #tpu.core_type<tc>, window_params = [{transform_indices = @transform_0, window_bounds = array<i64: 1>}, {transform_indices = @transform_1, window_bounds = array<i64: 1024, 128>}, {transform_indices = @transform_2, window_bounds = array<i64: 1024, 128>}, {pipeline_mode = #tpu.pipeline_mode<synchronous>, transform_indices = @transform_3, window_bounds = array<i64: 1, 128>}, {pipeline_mode = #tpu.pipeline_mode<synchronous>, transform_indices = @transform_4, window_bounds = array<i64: 128, 128>}, {pipeline_mode = #tpu.pipeline_mode<synchronous>, transform_indices = @transform_5, window_bounds = array<i64: 1, 128>}, {pipeline_mode = #tpu.pipeline_mode<synchronous>, transform_indices = @transform_6, window_bounds = array<i64: 128, 128>}, {transform_indices = @transform_7, window_bounds = array<i64: 1024, 128>}]} {
    %get3A = arith.constant 0 : index
    %get3A_0 = memref.load %arg1[%get3A] : memref<1xf32, #tpu.memory_space<smem>>
    %add3A = arith.constant 1.000000e+00 : f32
    %add3A_1 = arith.addf %add3A, %get3A_0 : f32
    %get3A_2 = arith.constant 0 : index
    %get3A_3 = arith.constant 0 : index
    %get3A_4 = vector.load %arg2[%get3A_2, %get3A_3] : memref<1024x128xf32, #tpu.memory_space<vmem>>, vector<1024x128xf32>
    %mul3A = vector.broadcast %add3A_1 : f32 to vector<1024x128xf32>
    %mul3A_5 = arith.mulf %mul3A, %get3A_4 : vector<1024x128xf32>
    %get3A_6 = arith.constant 0 : index
    %get3A_7 = arith.constant 0 : index
    %get3A_8 = vector.load %arg3[%get3A_6, %get3A_7] : memref<1024x128xf32, #tpu.memory_space<vmem>>, vector<1024x128xf32>
    %add3A_9 = arith.addf %mul3A_5, %get3A_8 : vector<1024x128xf32>
    %get3A_10 = arith.constant 0 : index
    %get3A_11 = arith.constant 0 : index
    %get3A_12 = vector.load %arg4[%get3A_10, %get3A_11] : memref<1x128xf32, #tpu.memory_space<vmem>>, vector<1x128xf32>
    %add3A_13 = vector.broadcast %get3A_12 : vector<1x128xf32> to vector<1024x128xf32>
    %add3A_14 = arith.addf %add3A_9, %add3A_13 : vector<1024x128xf32>
    %max3A = arith.constant 0.000000e+00 : f32
    %max3A_15 = vector.broadcast %max3A : f32 to vector<1024x128xf32>
    %max3A_16 = arith.maximumf %add3A_14, %max3A_15 : vector<1024x128xf32>
    %get3A_17 = arith.constant 0 : index
    %get3A_18 = arith.constant 0 : index
    %get3A_19 = vector.load %arg5[%get3A_17, %get3A_18] : memref<128x128xf32, #tpu.memory_space<vmem>>, vector<128x128xf32>
    %dot_general3A = arith.constant dense<0.000000e+00> : vector<1024x128xf32>
    %dot_general3A_20 = tpu.matmul %max3A_16, %get3A_19, %dot_general3A {dimension_numbers = #tpu.dot_dimension_numbers<[1], [0], [0], [1], [0, 0, 1, 1], [], []>, transpose_lhs_hint = false} : vector<1024x128xf32>, vector<128x128xf32>, vector<1024x128xf32> -> vector<1024x128xf32>
    %get3A_21 = arith.constant 0 : index
    %get3A_22 = arith.constant 0 : index
    %get3A_23 = vector.load %arg6[%get3A_21, %get3A_22] : memref<1x128xf32, #tpu.memory_space<vmem>>, vector<1x128xf32>
    %add3A_24 = vector.broadcast %get3A_23 : vector<1x128xf32> to vector<1024x128xf32>
    %add3A_25 = arith.addf %dot_general3A_20, %add3A_24 : vector<1024x128xf32>
    %max3A_26 = arith.constant 0.000000e+00 : f32
    %max3A_27 = vector.broadcast %max3A_26 : f32 to vector<1024x128xf32>
    %max3A_28 = arith.maximumf %add3A_25, %max3A_27 : vector<1024x128xf32>
    %get3A_29 = arith.constant 0 : index
    %get3A_30 = arith.constant 0 : index
    %get3A_31 = vector.load %arg7[%get3A_29, %get3A_30] : memref<128x128xf32, #tpu.memory_space<vmem>>, vector<128x128xf32>
    %dot_general3A_32 = arith.constant dense<0.000000e+00> : vector<1024x128xf32>
    %dot_general3A_33 = tpu.matmul %max3A_28, %get3A_31, %dot_general3A_32 {dimension_numbers = #tpu.dot_dimension_numbers<[1], [0], [0], [1], [0, 0, 1, 1], [], []>, transpose_lhs_hint = false} : vector<1024x128xf32>, vector<128x128xf32>, vector<1024x128xf32> -> vector<1024x128xf32>
    %swap3A = arith.constant 0 : index
    %swap3A_34 = arith.constant 0 : index
    %swap3A_35 = vector.load %arg8[%swap3A, %swap3A_34] : memref<1024x128xf32, #tpu.memory_space<vmem>>, vector<1024x128xf32>
    tpu.vector_store %arg8[%swap3A, %swap3A_34], %dot_general3A_33 {strides = array<i32>} : memref<1024x128xf32, #tpu.memory_space<vmem>>, vector<1024x128xf32>,
    return
  }
  func.func @transform_0(%arg0: i32) -> i32 {
    %c0_i32 = arith.constant 0 : i32
    %c0_i32_0 = arith.constant 0 : i32
    return %c0_i32 : i32
  }
  func.func @transform_1(%arg0: i32) -> (i32, i32) {
    %c0_i32 = arith.constant 0 : i32
    %c0_i32_0 = arith.constant 0 : i32
    return %arg0, %c0_i32 : i32, i32
  }
  func.func @transform_2(%arg0: i32) -> (i32, i32) {
    %c0_i32 = arith.constant 0 : i32
    %c0_i32_0 = arith.constant 0 : i32
    return %arg0, %c0_i32 : i32, i32
  }
  func.func @transform_3(%arg0: i32) -> (i32, i32) {
    %c0_i32 = arith.constant 0 : i32
    %c0_i32_0 = arith.constant 0 : i32
    %c0_i32_1 = arith.constant 0 : i32
    return %c0_i32, %c0_i32_0 : i32, i32
  }
  func.func @transform_4(%arg0: i32) -> (i32, i32) {
    %c0_i32 = arith.constant 0 : i32
    %c0_i32_0 = arith.constant 0 : i32
    %c0_i32_1 = arith.constant 0 : i32
    return %c0_i32, %c0_i32_0 : i32, i32
  }
  func.func @transform_5(%arg0: i32) -> (i32, i32) {
    %c0_i32 = arith.constant 0 : i32
    %c0_i32_0 = arith.constant 0 : i32
    %c0_i32_1 = arith.constant 0 : i32
    return %c0_i32, %c0_i32_0 : i32, i32
  }
  func.func @transform_6(%arg0: i32) -> (i32, i32) {
    %c0_i32 = arith.constant 0 : i32
    %c0_i32_0 = arith.constant 0 : i32
    %c0_i32_1 = arith.constant 0 : i32
    return %c0_i32, %c0_i32_0 : i32, i32
  }
  func.func @transform_7(%arg0: i32) -> (i32, i32) {
    %c0_i32 = arith.constant 0 : i32
    %c0_i32_0 = arith.constant 0 : i32
    return %arg0, %c0_i32 : i32, i32
  }
}

module attributes {stable_mosaic.version = 14 : i64} {
  func.func @_final_body(%arg0: i32, %arg1: memref<1xf32, #tpu.memory_space<smem>>, %arg2: memref<1024x128xf32, #tpu.memory_space<vmem>>, %arg3: memref<1024x128xf32, #tpu.memory_space<vmem>>, %arg4: memref<1x128xf32, #tpu.memory_space<vmem>>, %arg5: memref<128x128xf32, #tpu.memory_space<vmem>>, %arg6: memref<1x128xf32, #tpu.memory_space<vmem>>, %arg7: memref<1024x128xf32, #tpu.memory_space<vmem>>) attributes {dimension_semantics = [#tpu.dimension_semantics<arbitrary>], iteration_bounds = array<i64: 10>, scalar_prefetch = 0 : i64, scratch_operands = 0 : i64, tpu.core_type = #tpu.core_type<tc>, window_params = [{transform_indices = @transform_0, window_bounds = array<i64: 1>}, {transform_indices = @transform_1, window_bounds = array<i64: 1024, 128>}, {transform_indices = @transform_2, window_bounds = array<i64: 1024, 128>}, {pipeline_mode = #tpu.pipeline_mode<synchronous>, transform_indices = @transform_3, window_bounds = array<i64: 1, 128>}, {pipeline_mode = #tpu.pipeline_mode<synchronous>, transform_indices = @transform_4, window_bounds = array<i64: 128, 128>}, {pipeline_mode = #tpu.pipeline_mode<synchronous>, transform_indices = @transform_5, window_bounds = array<i64: 1, 128>}, {transform_indices = @transform_6, window_bounds = array<i64: 1024, 128>}]} {
    %get3A = arith.constant 0 : index
    %get3A_0 = memref.load %arg1[%get3A] : memref<1xf32, #tpu.memory_space<smem>>
    %add3A = arith.constant 1.000000e+00 : f32
    %add3A_1 = arith.addf %add3A, %get3A_0 : f32
    %get3A_2 = arith.constant 0 : index
    %get3A_3 = arith.constant 0 : index
    %get3A_4 = vector.load %arg2[%get3A_2, %get3A_3] : memref<1024x128xf32, #tpu.memory_space<vmem>>, vector<1024x128xf32>
    %mul3A = vector.broadcast %add3A_1 : f32 to vector<1024x128xf32>
    %mul3A_5 = arith.mulf %mul3A, %get3A_4 : vector<1024x128xf32>
    %get3A_6 = arith.constant 0 : index
    %get3A_7 = arith.constant 0 : index
    %get3A_8 = vector.load %arg3[%get3A_6, %get3A_7] : memref<1024x128xf32, #tpu.memory_space<vmem>>, vector<1024x128xf32>
    %add3A_9 = arith.addf %mul3A_5, %get3A_8 : vector<1024x128xf32>
    %get3A_10 = arith.constant 0 : index
    %get3A_11 = arith.constant 0 : index
    %get3A_12 = vector.load %arg4[%get3A_10, %get3A_11] : memref<1x128xf32, #tpu.memory_space<vmem>>, vector<1x128xf32>
    %add3A_13 = vector.broadcast %get3A_12 : vector<1x128xf32> to vector<1024x128xf32>
    %add3A_14 = arith.addf %add3A_9, %add3A_13 : vector<1024x128xf32>
    %max3A = arith.constant 0.000000e+00 : f32
    %max3A_15 = vector.broadcast %max3A : f32 to vector<1024x128xf32>
    %max3A_16 = arith.maximumf %add3A_14, %max3A_15 : vector<1024x128xf32>
    %get3A_17 = arith.constant 0 : index
    %get3A_18 = arith.constant 0 : index
    %get3A_19 = vector.load %arg5[%get3A_17, %get3A_18] : memref<128x128xf32, #tpu.memory_space<vmem>>, vector<128x128xf32>
    %dot_general3A = arith.constant dense<0.000000e+00> : vector<1024x128xf32>
    %dot_general3A_20 = tpu.matmul %max3A_16, %get3A_19, %dot_general3A {dimension_numbers = #tpu.dot_dimension_numbers<[1], [0], [0], [1], [0, 0, 1, 1], [], []>, transpose_lhs_hint = false} : vector<1024x128xf32>, vector<128x128xf32>, vector<1024x128xf32> -> vector<1024x128xf32>
    %get3A_21 = arith.constant 0 : index
    %get3A_22 = arith.constant 0 : index
    %get3A_23 = vector.load %arg6[%get3A_21, %get3A_22] : memref<1x128xf32, #tpu.memory_space<vmem>>, vector<1x128xf32>
    %add3A_24 = vector.broadcast %get3A_23 : vector<1x128xf32> to vector<1024x128xf32>
    %add3A_25 = arith.addf %dot_general3A_20, %add3A_24 : vector<1024x128xf32>
    %swap3A = arith.constant 0 : index
    %swap3A_26 = arith.constant 0 : index
    %swap3A_27 = vector.load %arg7[%swap3A, %swap3A_26] : memref<1024x128xf32, #tpu.memory_space<vmem>>, vector<1024x128xf32>
    tpu.vector_store %arg7[%swap3A, %swap3A_26], %add3A_25 {strides = array<i32>} : memref<1024x128xf32, #tpu.memory_space<vmem>>, vector<1024x128xf32>,
    return
  }
  func.func @transform_0(%arg0: i32) -> i32 {
    %c0_i32 = arith.constant 0 : i32
    %c0_i32_0 = arith.constant 0 : i32
    return %c0_i32 : i32
  }
  func.func @transform_1(%arg0: i32) -> (i32, i32) {
    %c0_i32 = arith.constant 0 : i32
    %c0_i32_0 = arith.constant 0 : i32
    return %arg0, %c0_i32 : i32, i32
  }
  func.func @transform_2(%arg0: i32) -> (i32, i32) {
    %c0_i32 = arith.constant 0 : i32
    %c0_i32_0 = arith.constant 0 : i32
    return %arg0, %c0_i32 : i32, i32
  }
  func.func @transform_3(%arg0: i32) -> (i32, i32) {
    %c0_i32 = arith.constant 0 : i32
    %c0_i32_0 = arith.constant 0 : i32
    %c0_i32_1 = arith.constant 0 : i32
    return %c0_i32, %c0_i32_0 : i32, i32
  }
  func.func @transform_4(%arg0: i32) -> (i32, i32) {
    %c0_i32 = arith.constant 0 : i32
    %c0_i32_0 = arith.constant 0 : i32
    %c0_i32_1 = arith.constant 0 : i32
    return %c0_i32, %c0_i32_0 : i32, i32
  }
  func.func @transform_5(%arg0: i32) -> (i32, i32) {
    %c0_i32 = arith.constant 0 : i32
    %c0_i32_0 = arith.constant 0 : i32
    %c0_i32_1 = arith.constant 0 : i32
    return %c0_i32, %c0_i32_0 : i32, i32
  }
  func.func @transform_6(%arg0: i32) -> (i32, i32) {
    %c0_i32 = arith.constant 0 : i32
    %c0_i32_0 = arith.constant 0 : i32
    return %arg0, %c0_i32 : i32, i32
  }
}

</mosaic_0001>

<sc_bundles>
// kernel: kernel.10.cloned.1.call-start
scs
__scs_entry_jumppad:
0x0: {  	(pc) =	sbr.rel $0x88, $3  }
0x1: {  	(tag) =	ssettag $0x0;
	lr =	simm.s32 $0x1  }
0x2: {  	[smem:$0x3F95] =	sst lr;
	_ =	strace $0xD0000000  }
0x3: {  	_ = 	snop  }
0x4: {  	_ = 	snop  }
0x5: {  	_ = 	snop  }
0x6: {  	_ = 	snop  }
0x7: {  	_ = 	snop  }
__scs_overlays_trampoline_lowered:
0x8: {  	[smem:$0x3FA4] =	sst s0  }
0x9: {  	[smem:$0x3FA5] =	sst s1  }
0xa: {  	[smem:$0x3FA6] =	sst s2  }
0xb: {  	[smem:$0x3FA7] =	sst s3  }
0xc: {  	[smem:$0x3FA8] =	sst s4  }
0xd: {  	[smem:$0x3FA9] =	sst s5  }
0xe: {  	[smem:$0x3FAA] =	sst s6  }
0xf: {  	[smem:$0x3FAB] =	sst s7  }
0x10: {  	[smem:$0x3FAC] =	sst s8  }
0x11: {  	[smem:$0x3FAD] =	sst s9;
	s0 =	simm.s32 @!p0 $0x0  }
0x12: {  	s1 =	sld [smem:$0x3F93];
	s0 =	simm.s32 @p0 $0x1  }
0x13: {  	[smem:$0x3FAE] =	sst s0;
	s0 =	simm.s32 @!p1 $0x0  }
0x14: {  	s2 =	sld [smem:$0x3F92];
	s0 =	simm.s32 @p1 $0x1  }
0x15: {  	[smem:$0x3FAF] =	sst s0;
	s0 =	simm.s32 @!p2 $0x0  }
0x16: {  	s3 =	sld [smem:$0x3FDB];
	s0 =	simm.s32 @p2 $0x1  }
0x17: {  	s4 =	simm.s32 $0x1BF5;
	[smem:$0x3FB1] =	sst s0  }
0x18: {  	s0 =	sld [smem:$0x3F94];
	_ =	swait.ge [sflag:s4], $0x0  }
0x19: {  	s7 =	sld [smem:$0x3F95]  }
0x1a: {  	s8 =	sadd.s32 $0xFFFFE003, lr  }
0x1b: {  	s9 =	sadd.s32 $0xFFFFFEF7, lr;
	s5 =	simm.s32 $0xFFFFFFFF;
	p2 =	slt.u32 s8, $0xFFFFF086  }
0x1c: {  	p1 =	slt.u32 s9, $0xF7A;
	s5 =	simm.s32 @!p2 $0x0  }
0x1d: {  	s5 =	simm.s32 @p1 $0x1;
	p0 =	seq.s32 s7, s2  }
0x1e: {  	s7 =	smul.u32 @!p0 $0xF7A, s2;
	p2 =	seq.s32 @!p0 s5, $0x0  }
0x1f: {  	s9 =	smul.u32 $0xF7A, s1;
	s8 =	simm.s32 @!p0 $0x1BF5;
	p2 =	por !p2, p0  }
0x20: {  	[sflag:s8] =	ssyncset.s32 @!p0 $0xFFFFF086;
	s6 =	sadd.s32 @!p0 s3, s7;
	s7 =	simm.s32 @!p0 $0x108  }
0x21: {  	s3 =	sadd.s32 s3, s9;
	s6 =	sadd.s32 @!p0 $0x88, s6;
	s7 =	simm.s32 @p2 $0x1082  }
0x22: {  	[simem:s7], [sflag:s8] =	dma.local @!p0 [hbm:s6], $0xF7A  }
0x23: {  	s9 =	sor.u32 $0xD0000000, s2;
	s6 =	simm.s32 $0x108;
	_ =	swait.ge @!p0 [sflag:s8], $0x0  }
0x24: {  	s3 =	sadd.s32 $0x88, s3;
	s6 =	simm.s32 @!p1 $0x1082;
	[sflag:s4] =	ssyncset.s32 $0xFFFFF086  }
0x25: {  	[simem:s6], [sflag:s4] =	dma.local [hbm:s3], $0xF7A  }
0x26: {  	[smem:$0x3F95] =	sst s1;
	(tag) =	ssettag s2;
	_ =	strace s9  }
0x27: {  	s1 =	sld [smem:$0x3FA5]  }
0x28: {  	s2 =	sld [smem:$0x3FA6]  }
0x29: {  	s4 =	sld [smem:$0x3FA8]  }
0x2a: {  	p0 =	seq.s32 s5, $0x0;
	s5 =	sld [smem:$0x3FA9]  }
0x2b: {  	s6 =	sld [smem:$0x3FAA]  }
0x2c: {  	s7 =	sld [smem:$0x3FAB]  }
0x2d: {  	s3 =	simm.s32 $0x108;
	s8 =	sld [smem:$0x3FAC]  }
0x2e: {  	s3 =	simm.s32 @!p0 $0x1082;
	s9 =	sld [smem:$0x3FAD]  }
0x2f: {  	lr =	sadd.s32 s0, s3;
	s0 =	sld [smem:$0x3FA4]  }
0x30: {  	s3 =	sld [smem:$0x3FA7]  }
0x31: {  	[smem:$0x3FB0] =	sst s10  }
0x32: {  	s10 =	sld [smem:$0x3FAE];
	_ =	sdelay $0x3  }
0x33: {  	p0 =	seq.s32 s10, $0x1;
	s10 =	sld [smem:$0x3FB0];
	_ =	sdelay $0x3  }
0x34: {  	[smem:$0x3FB0] =	sst s10  }
0x35: {  	s10 =	sld [smem:$0x3FAF];
	_ =	sdelay $0x3  }
0x36: {  	p1 =	seq.s32 s10, $0x1;
	s10 =	sld [smem:$0x3FB0];
	_ =	sdelay $0x3  }
0x37: {  	[smem:$0x3FB0] =	sst s10  }
0x38: {  	s10 =	sld [smem:$0x3FB1]  }
0x39: {  	_ = 	snop;
	(pc) =	sbr.ind lr, $3  }
0x3a: {  	_ = 	snop  }
0x3b: {  	_ = 	snop  }
0x3c: {  	p2 =	seq.s32 s10, $0x1;
	s10 =	sld [smem:$0x3FB0]  }
0x3d: {  	_ =	shalt  }
0x3e: {  	_ =	shalt  }
0x3f: {  	_ =	shalt  }
0x40: {  	_ =	shalt  }
0x41: {  	_ =	shalt  }
0x42: {  	_ =	shalt  }
0x43: {  	_ =	shalt  }
0x44: {  	_ =	shalt  }
0x45: {  	_ =	shalt  }
0x46: {  	_ =	shalt  }
0x47: {  	_ =	shalt  }
0x48: {  	_ =	shalt  }
0x49: {  	_ =	shalt  }
0x4a: {  	_ =	shalt  }
0x4b: {  	_ =	shalt  }
0x4c: {  	_ =	shalt  }
0x4d: {  	_ =	shalt  }
0x4e: {  	_ =	shalt  }
0x4f: {  	_ =	shalt  }
0x50: {  	_ =	shalt  }
0x51: {  	_ =	shalt  }
0x52: {  	_ =	shalt  }
0x53: {  	_ =	shalt  }
0x54: {  	_ =	shalt  }
0x55: {  	_ =	shalt  }
0x56: {  	_ =	shalt  }
0x57: {  	_ =	shalt  }
0x58: {  	_ =	shalt  }
0x59: {  	_ =	shalt  }
0x5a: {  	_ =	shalt  }
0x5b: {  	_ =	shalt  }
0x5c: {  	_ =	shalt  }
0x5d: {  	_ =	shalt  }
0x5e: {  	_ =	shalt  }
0x5f: {  	_ =	shalt  }
0x60: {  	_ =	shalt  }
0x61: {  	_ =	shalt  }
0x62: {  	_ =	shalt  }
0x63: {  	_ =	shalt  }
0x64: {  	_ =	shalt  }
0x65: {  	_ =	shalt  }
0x66: {  	_ =	shalt  }
0x67: {  	_ =	shalt  }
0x68: {  	_ =	shalt  }
0x69: {  	_ =	shalt  }
0x6a: {  	_ =	shalt  }
0x6b: {  	_ =	shalt  }
0x6c: {  	_ =	shalt  }
0x6d: {  	_ =	shalt  }
0x6e: {  	_ =	shalt  }
0x6f: {  	_ =	shalt  }
0x70: {  	_ =	shalt  }
0x71: {  	_ =	shalt  }
0x72: {  	_ =	shalt  }
0x73: {  	_ =	shalt  }
0x74: {  	_ =	shalt  }
0x75: {  	_ =	shalt  }
0x76: {  	_ =	shalt  }
0x77: {  	_ =	shalt  }
0x78: {  	_ =	shalt  }
0x79: {  	_ =	shalt  }
0x7a: {  	_ =	shalt  }
0x7b: {  	_ =	shalt  }
0x7c: {  	_ =	shalt  }
0x7d: {  	_ =	shalt  }
0x7e: {  	_ =	shalt  }
0x7f: {  	_ =	shalt  }
0x80: {  	_ =	shalt  }
0x81: {  	_ =	shalt  }
0x82: {  	_ =	shalt  }
0x83: {  	_ =	shalt  }
0x84: {  	_ =	shalt  }
0x85: {  	_ =	shalt  }
0x86: {  	_ =	shalt  }
0x87: {  	_ =	shalt  }
.Lfunc_end0:
.L_simem_size_0:
called_computation.1_lowered:
.L_overlay_start_0:
0x88: {  	s2 =	sld [smem:$0x3FD9]  }
0x89: {  	s3 =	sld [smem:$0x3FFE];
	_ =	sdelay $0x1  }
0x8a: {  	s1 =	srdreg.scid  }
0x8b: {  	s0 =	sand.u32 $0x1, s1  }
0x8c: {  	s17 =	sshll.u32 s0, $0xA;
	s2 =	sadd.s32 s3, s2  }
0x8d: {  	s2 =	sadd.s32 s2, s17  }
0x8e: {  	[smem:$0x3FBC] =	sst s2  }
0x8f: {  	_ = 	snop  }
0x90: {  	s2 =	sld [smem:$0x3FC8]  }
0x91: {  	s18 =	sld [smem:$0x3FD0];
	(tm) =	ssettm $0x1  }
0x92: {  	s4 =	sld [smem:$0x3FFB];
	_ =	sdelay $0x3  }
0x93: {  	_ =	strace s4  }
0x94: {  	s4 =	sld [smem:$0x3FFC];
	_ =	sdelay $0x3  }
0x95: {  	_ =	strace s4  }
0x96: {  	s4 =	sld [smem:$0x3FFD];
	_ =	sdelay $0x3  }
0x97: {  	_ =	strace s4  }
0x98: {  	_ =	strace $0x8FFFFFFF  }
0x99: {  	s19 =	sld [smem:$0x3FDB];
	_ =	sdelay $0x1  }
0x9a: {  	s5 =	simm.s32 $_scs_section_size  }
0x9b: {  	s6 =	simm.s32 $_size__tile_overlayer_lowered;
	s7 =	simm.s32 $_tile_overlayer_lowered  }
0x9c: {  	s22 =	simm.s32 $0x1BFF;
	s21 =	sshll.u32 s7, $0x1;
	s4 =	sadd.s32 s5, s19  }
0x9d: {  	s8 =	simm.s32 $0x0;
	s20 =	sshll.u32 s6, $0x1;
	s6 =	sadd.s32 s21, s4  }
0x9e: {  	[timem:s8], [sflag:s22] =	dma.local [hbm:s6], s20  }
0x9f: {  	_ =	swait.ge [sflag:s22], s20  }
0xa0: {  	s5 =	ssub.s32 $0x0, s20;
	[sflag:s22] =	ssyncset.done $0x0  }
0xa1: {  	[sflag:s22] =	ssyncadd.s32 s5;
	_ =	sdelay $0x1  }
0xa2: {  	s23 =	simm.s32 $0x1B8B  }
0xa3: {  	_ =	swait.ge [sflag:s23], $0x1  }
0xa4: {  	[sflag:s23] =	ssyncset.done $0x0  }
0xa5: {  	s25 =	simm.s32 $0x1B8E;
	s24 =	sld [smem:$0x3FFE];
	[sflag:s23] =	ssyncadd.s32 $0xFFFFFFFF  }
0xa6: {  	s26 =	simm.s32 $execute0_lowered;
	[smem:$0x3FD2] =	sst s25  }
0xa7: {  	s6 =	sshll.u32 s26, $0x1;
	_ =	strace $0x80000049;
	[dreg:$0x1] =	wrdreg $0xFFFFFFFF  }
0xa8: {  	s28 =	simm.s32 $_size_execute0_lowered;
	s4 =	sadd.s32 s4, s6;
	[dreg:$0x0] =	wrdreg $0x0  }
0xa9: {  	s6 =	sshll.u32 s28, $0x1;
	[dreg:$0x2] =	wrdreg s4  }
0xaa: {  	[dreg:$0x3] =	wrdreg s6  }
0xab: {  	[dreg:$0x4] =	wrdreg $0xC0  }
0xac: {  	_ =	task [dreg:s8], $0x5FFFF  }
0xad: {  	[dreg:$0x1] =	wrdreg $0xFFFFFFFF  }
0xae: {  	[dreg:$0x0] =	wrdreg $0x60  }
0xaf: {  	[dreg:$0x2] =	wrdreg s2  }
0xb0: {  	[dreg:$0x3] =	wrdreg s24  }
0xb1: {  	[dreg:$0x4] =	wrdreg s18  }
0xb2: {  	[dreg:$0x5] =	wrdreg $0x41800  }
0xb3: {  	[dreg:$0x6] =	wrdreg $0x9  }
0xb4: {  	_ =	task.clear_ibuf [dreg:s8], $0x7FFFF;
	_ =	strace $0x90000049  }
0xb5: {  	s29 =	simm.s32 $0x9;
	_ =	strace $0x8000004B  }
0xb6: {  	_ =	swait.ge [sflag:s29], $0x1  }
0xb7: {  	[sflag:s29] =	ssyncadd.s32 $0xFFFFFFFF  }
0xb8: {  	_ =	strace $0x9000004B  }
0xb9: {  	_ =	sfence  }
0xba: {  	s30 =	sld [smem:$0x0];
	_ =	sdelay $0x2  }
0xbb: {  	s31 =	sshll.u32 s1, $0xD;
	s1 =	sshrl.u32 s1, $0x2  }
0xbc: {  	s3 =	sand.u32 $0x4000, s31;
	s1 =	sadd.s32 s1, s30  }
0xbd: {  	s0 =	sor.u32 s3, s0;
	s1 =	sshll.u32 s1, $0x11  }
0xbe: {  	s0 =	sor.u32 s1, s0  }
0xbf: {  	s0 =	sadd.s32 $0x8F2B, s0  }
0xc0: {  	[sflag:s0] =	ssyncadd.remote.s32 $0x1  }
0xc1: {  	_ =	sfence.sel $0xFFFF  }
0xc2: {  	[dreg:$0x0] =	wrdreg $0xFFFFFFFF;
	(pc) =	sbr.abs _section_cstart, $3  }
0xc3: {  	[dreg:$0x1] =	wrdreg $0xFFFFFFFF  }
0xc4: {  	_ =	task.clear_ibuf [dreg:s8], $0x2FFFF;
	_ =	strace $0x9FFFFFFF  }
0xc5: {  	(tm) =	ssettm $0x7FFFFFFF  }
tec
execute0_lowered:
.L_overlay_start_1:
0x0: {  	(tag) =	ssettag $0x1  }
0x1: {  	s10 =	rddreg [dreg:$0x0]  }
0x2: {  	s6 =	rddreg [dreg:$0x1]  }
0x3: {  	s1 =	rddreg [dreg:$0x2]  }
0x4: {  	s2 =	rddreg [dreg:$0x3];
	s3 =	srdreg.scid  }
0x5: {  	s0 =	rddreg [dreg:$0x4];
	s7 =	sand.u32 $0x1, s3  }
0x6: {  	s4 =	simm.s32 $0x0;
	s3 =	stileid.u32;
	s5 =	smul.u32 $0xA0000, s7  }
0x7: {  	s13 =	simm.s32 $0x80;
	s14 =	simm.s32 $0x180;
	s8 =	smul.u32 $0xA000, s3  }
0x8: {  	s15 =	simm.s32 $0x1;
	[smem:$0x7FF] =	sst s4;
	s11 =	smul.u32 $0x29000, s3  }
0x9: {  	s18 =	simm.s32 $0x0;
	_ =	strace $0x8000004A;
	s29 =	smul.u32 $0x28000, s3  }
0xa: {  	s9 =	ssub.s32 $0x2, s7;
	s28 =	sshll.u32 s3, $0x6;
	s16 =	smul.u32 $0x1400, s7  }
0xb: {  	s30 =	ssub.s32 $0x9D3, s3;
	s31 =	sshll.u32 s3, $0x5;
	s12 =	sshrl.u32 s9, $0x1  }
0xc: {  	s7 =	sshrl.u32 s30, $0x4;
	s10 =	sadd.s32 s31, s10;
	s8 =	sadd.s32 s8, s5  }
0xd: {  	s5 =	sadd.s32 $0x2400, s6;
	s9 =	ssub.s32 s9, s12;
	s26 =	sshrl.u32 s11, $0x2  }
0xe: {  	s12 =	sshrl.u32 s29, $0x2;
	v0 =	vmov s16;
	s16 =	simm.s32 $0x100;
	s8 =	sshrl.u32 s8, $0x3  }
0xf: {  	s11 =	sadd.s32 s26, s2;
	s17 =	sadd.s32 s12, s2;
	s9 =	smax.u32 s9, $0x1  }
0x10: {  	s12 =	simm.s32 $0x2;
	s8 =	sadd.s32 s8, s6;
	s6 =	sor.u32 $0x1C02, s28  }
0x11: {  	s11 =	sshrl.u32 s11, $0x3;
	s17 =	sshrl.u32 s17, $0x3;
	s8 =	sadd.s32 $0x2A400, s8  }
.LBB2_1:
0x12: {  	[spmem:s11], [sflag:s6] =	dma.local [hbm:s1], $0x1480  }
0x13: {  	_ =	swait.ge [sflag:s12], $0x1480  }
0x14: {  	[sflag:s12] =	ssyncset.done $0x0  }
0x15: {  	[sflag:s12] =	ssyncadd.s32 $0xFFFFEB80  }
0x16: {  	[bflag:$0x0] =	sbarrier.arrive $0xFFFF  }
0x17: {  	[tilespmem:s4], [sflag:$0x2] =	stream.linear.gather [hbm4b:s10+s4], $0x100, $0x38;
	[tilespmem:$0xE580] =	vst v63  }
0x18: {  	_ =	swait.ge [sflag:s12], $0x100  }
0x19: {  	[sflag:s12] =	ssyncset.done $0x0  }
0x1a: {  	[sflag:s12] =	ssyncadd.s32 $0xFFFFFF00  }
0x1b: {  	[tilespmem:s14], [sflag:$0x1] =	stream.indirect.gather [hbm4b:s5+s13], $0x80, s4, s13, $0xb8;
	[tilespmem:$0xE580] =	vst v63  }
0x1c: {  	v1 =	vld [tilespmem:$0xF0]  }
0x1d: {  	v2 =	vld [tilespmem:$0xE0]  }
0x1e: {  	v3 =	vld [tilespmem:$0xB0]  }
0x1f: {  	v4 =	vld [tilespmem:$0xA0]  }
0x20: {  	v5 =	vld [tilespmem:$0x90]  }
0x21: {  	v6 =	vld [tilespmem:$0xC0];
	v1 =	vsub.s32 v1, v0  }
0x22: {  	v7 =	vld [tilespmem:$0x80];
	v2 =	vsub.s32 v2, v0;
	v1 =	vmin.u32 v1, $0x1400  }
0x23: {  	v8 =	vld [tilespmem:$0xD0];
	v3 =	vsub.s32 v3, v0;
	v2 =	vmin.u32 v2, $0x1400;
	[tilespmem:$0x170] =	vst v1  }
0x24: {  	p0 =	sne.s32 s7, $0x1;
	v3 =	vmin.u32 v3, $0x1400;
	v1 =	vsub.s32 v4, v0;
	[tilespmem:$0x160] =	vst v2  }
.Ltmp0:
0x25: {  	v2 =	vsub.s32 v5, v0;
	[tilespmem:$0x130] =	vst v3;
	v1 =	vmin.u32 v1, $0x1400;
	(pc) =	sbr.rel @!p0 .LBB2_3-.Ltmp0, $4  }
0x26: {  	v2 =	vmin.u32 v2, $0x1400;
	[tilespmem:$0x120] =	vst v1;
	v1 =	vsub.s32 v6, v0  }
0x27: {  	v3 =	vsub.s32 v7, v0;
	[tilespmem:$0x110] =	vst v2;
	v1 =	vmin.u32 v1, $0x1400  }
0x28: {  	v2 =	vmin.u32 v3, $0x1400;
	[tilespmem:$0x140] =	vst v1;
	v1 =	vsub.s32 v8, v0  }
0x29: {  	s19 =	sadd.s32 $0xFFFFFFFF, s7;
	s20 =	smov.u32 s10;
	[tilespmem:$0x100] =	vst v2;
	v1 =	vmin.u32 v1, $0x1400  }
.LBB2_2:
0x2a: {  	p0 =	sne.s32 s19, $0x1;
	s19 =	sadd.s32 $0xFFFFFFFF, s19;
	[tilespmem:$0x150] =	vst v1;
	s20 =	sadd.s32 $0x200, s20  }
0x2b: {  	_ =	swait.ge [sflag:s15], $0x4000  }
0x2c: {  	[sflag:s15] =	ssyncset.done $0x0  }
0x2d: {  	[sflag:s15] =	ssyncadd.s32 $0xFFFFC000  }
0x2e: {  	[spmem:s2] =	stream.indirect.scatter.add.f32 [tilespmem:s14], [sflag:$0x2], $0x80, s16, s13, $0xb8;
	[tilespmem:$0xE580] =	vst v63  }
0x2f: {  	_ =	swait.ge [sflag:s12], $0x4000  }
0x30: {  	[sflag:s12] =	ssyncset.done $0x0  }
0x31: {  	[sflag:s12] =	ssyncadd.s32 $0xFFFFC000  }
0x32: {  	[tilespmem:s4], [sflag:$0x2] =	stream.linear.gather [hbm4b:s20+s4], $0x100, $0x38;
	[tilespmem:$0xE580] =	vst v63  }
0x33: {  	_ =	swait.ge [sflag:s12], $0x100  }
0x34: {  	[sflag:s12] =	ssyncset.done $0x0  }
0x35: {  	[sflag:s12] =	ssyncadd.s32 $0xFFFFFF00  }
0x36: {  	[tilespmem:s14], [sflag:$0x1] =	stream.indirect.gather [hbm4b:s5+s13], $0x80, s4, s13, $0xb8;
	[tilespmem:$0xE580] =	vst v63  }
0x37: {  	v1 =	vld [tilespmem:$0xF0]  }
0x38: {  	v2 =	vld [tilespmem:$0xE0]  }
0x39: {  	v3 =	vld [tilespmem:$0xB0]  }
0x3a: {  	v4 =	vld [tilespmem:$0xA0]  }
0x3b: {  	v5 =	vld [tilespmem:$0x90]  }
0x3c: {  	v6 =	vld [tilespmem:$0xC0];
	v1 =	vsub.s32 v1, v0  }
0x3d: {  	v7 =	vld [tilespmem:$0x80];
	v2 =	vsub.s32 v2, v0;
	v1 =	vmin.u32 v1, $0x1400  }
0x3e: {  	v3 =	vsub.s32 v3, v0;
	v8 =	vld [tilespmem:$0xD0];
	v2 =	vmin.u32 v2, $0x1400;
	[tilespmem:$0x170] =	vst v1  }
0x3f: {  	v1 =	vsub.s32 v4, v0;
	v3 =	vmin.u32 v3, $0x1400;
	[tilespmem:$0x160] =	vst v2  }
.Ltmp1:
0x40: {  	v2 =	vsub.s32 v5, v0;
	v1 =	vmin.u32 v1, $0x1400;
	[tilespmem:$0x130] =	vst v3;
	(pc) =	sbr.rel @p0 .LBB2_2-.Ltmp1, $4  }
0x41: {  	v2 =	vmin.u32 v2, $0x1400;
	[tilespmem:$0x120] =	vst v1;
	v1 =	vsub.s32 v6, v0  }
0x42: {  	v3 =	vsub.s32 v7, v0;
	[tilespmem:$0x110] =	vst v2;
	v1 =	vmin.u32 v1, $0x1400  }
0x43: {  	v2 =	vmin.u32 v3, $0x1400;
	[tilespmem:$0x140] =	vst v1;
	v1 =	vsub.s32 v8, v0  }
0x44: {  	[tilespmem:$0x100] =	vst v2;
	v1 =	vmin.u32 v1, $0x1400  }
.LBB2_3:
0x45: {  	[tilespmem:$0x150] =	vst v1  }
0x46: {  	_ =	swait.ge [sflag:s15], $0x4000  }
0x47: {  	[sflag:s15] =	ssyncset.done $0x0  }
0x48: {  	[sflag:s15] =	ssyncadd.s32 $0xFFFFC000  }
0x49: {  	[spmem:s2] =	stream.indirect.scatter.add.f32 [tilespmem:s14], [sflag:$0x2], $0x80, s16, s13, $0xb8;
	[tilespmem:$0xE580] =	vst v63  }
0x4a: {  	_ =	swait.ge [sflag:s12], $0x4000  }
0x4b: {  	s18 =	sadd.s32 $0x1, s18;
	[sflag:s12] =	ssyncset.done $0x0  }
0x4c: {  	p0 =	sne.s32 s18, s9;
	[sflag:s12] =	ssyncadd.s32 $0xFFFFC000  }
.Ltmp2:
0x4d: {  	[bflag:$0x0] =	sbarrier.arrive $0xFFFF;
	(pc) =	sbr.rel @p0 .LBB2_1-.Ltmp2, $4  }
0x4e: {  	[hbm:s8], [sflag:s6] =	dma.local [spmem:s17], $0x1400  }
0x4f: {  	_ =	swait.ge [sflag:s12], $0x1400  }
0x50: {  	[sflag:s12] =	ssyncset.done $0x0  }
0x51: {  	[sflag:s12] =	ssyncadd.s32 $0xFFFFEC00  }
0x52: {  	_ =	sfence.sel $0x180000  }
0x53: {  	[bflag:$0x0] =	sbarrier.arrive $0xFFFF  }
0x54: {  	p0 =	sne.s32 s3, $0x0;
	_ =	strace $0x9000004A  }
0x55: {  	s0 =	sadd.s32 @!p0 $0x100000, s0;
	[bflag:$0x2] =	sbarrier.arrive $0xFFFF  }
0x56: {  	[sflag:s0] =	ssyncadd.tile.s32 @!p0 $0x1;
	_ =	shalt  }
.Lfunc_end2:
_tile_overlayer_lowered:
.L_overlay_start_2:
0x57: {  	(tag) =	ssettag $0x2  }
0x58: {  	s0 =	rddreg [dreg:$0x0];
	s2 =	stileid.u32  }
0x59: {  	s1 =	rddreg [dreg:$0x1];
	p0 =	sne.s32 s2, $0x0  }
0x5a: {  	s3 =	rddreg [dreg:$0x2];
	[bflag:$0x3] =	sbarrier.arrive $0xFFFF;
	s2 =	simm.s32 @!p0 $0x1C02  }
0x5b: {  	[timem:s3], [sflag:s2] =	dma.local @!p0 [hbm:s0], s1  }
0x5c: {  	s0 =	simm.s32 @!p0 $0x2  }
0x5d: {  	_ =	swait.ge @!p0 [sflag:s0], s1  }
0x5e: {  	s1 =	ssub.s32 @!p0 $0x0, s1;
	[sflag:s0] =	ssyncset.done @!p0 $0x0  }
0x5f: {  	[sflag:s0] =	ssyncadd.s32 @!p0 s1  }
0x60: {  	[bflag:$0x3] =	sbarrier.arrive $0xFFFF  }
0x61: {  	_ =	shalt  }

// kernel: kernel.7.cloned.1.call-start
scs
__scs_entry_jumppad:
0x0: {  	(pc) =	sbr.rel $0x88, $3  }
0x1: {  	(tag) =	ssettag $0x0;
	lr =	simm.s32 $0x1  }
0x2: {  	[smem:$0x3F95] =	sst lr;
	_ =	strace $0xD0000000  }
0x3: {  	_ = 	snop  }
0x4: {  	_ = 	snop  }
0x5: {  	_ = 	snop  }
0x6: {  	_ = 	snop  }
0x7: {  	_ = 	snop  }
__scs_overlays_trampoline_lowered:
0x8: {  	[smem:$0x3FA4] =	sst s0  }
0x9: {  	[smem:$0x3FA5] =	sst s1  }
0xa: {  	[smem:$0x3FA6] =	sst s2  }
0xb: {  	[smem:$0x3FA7] =	sst s3  }
0xc: {  	[smem:$0x3FA8] =	sst s4  }
0xd: {  	[smem:$0x3FA9] =	sst s5  }
0xe: {  	[smem:$0x3FAA] =	sst s6  }
0xf: {  	[smem:$0x3FAB] =	sst s7  }
0x10: {  	[smem:$0x3FAC] =	sst s8  }
0x11: {  	[smem:$0x3FAD] =	sst s9;
	s0 =	simm.s32 @!p0 $0x0  }
0x12: {  	s1 =	sld [smem:$0x3F93];
	s0 =	simm.s32 @p0 $0x1  }
0x13: {  	[smem:$0x3FAE] =	sst s0;
	s0 =	simm.s32 @!p1 $0x0  }
0x14: {  	s2 =	sld [smem:$0x3F92];
	s0 =	simm.s32 @p1 $0x1  }
0x15: {  	[smem:$0x3FAF] =	sst s0;
	s0 =	simm.s32 @!p2 $0x0  }
0x16: {  	s3 =	sld [smem:$0x3FDB];
	s0 =	simm.s32 @p2 $0x1  }
0x17: {  	s4 =	simm.s32 $0x1BF5;
	[smem:$0x3FB1] =	sst s0  }
0x18: {  	s0 =	sld [smem:$0x3F94];
	_ =	swait.ge [sflag:s4], $0x0  }
0x19: {  	s7 =	sld [smem:$0x3F95]  }
0x1a: {  	s8 =	sadd.s32 $0xFFFFE003, lr  }
0x1b: {  	s9 =	sadd.s32 $0xFFFFFEF7, lr;
	s5 =	simm.s32 $0xFFFFFFFF;
	p2 =	slt.u32 s8, $0xFFFFF086  }
0x1c: {  	p1 =	slt.u32 s9, $0xF7A;
	s5 =	simm.s32 @!p2 $0x0  }
0x1d: {  	s5 =	simm.s32 @p1 $0x1;
	p0 =	seq.s32 s7, s2  }
0x1e: {  	s7 =	smul.u32 @!p0 $0xF7A, s2;
	p2 =	seq.s32 @!p0 s5, $0x0  }
0x1f: {  	s9 =	smul.u32 $0xF7A, s1;
	s8 =	simm.s32 @!p0 $0x1BF5;
	p2 =	por !p2, p0  }
0x20: {  	[sflag:s8] =	ssyncset.s32 @!p0 $0xFFFFF086;
	s6 =	sadd.s32 @!p0 s3, s7;
	s7 =	simm.s32 @!p0 $0x108  }
0x21: {  	s3 =	sadd.s32 s3, s9;
	s6 =	sadd.s32 @!p0 $0x88, s6;
	s7 =	simm.s32 @p2 $0x1082  }
0x22: {  	[simem:s7], [sflag:s8] =	dma.local @!p0 [hbm:s6], $0xF7A  }
0x23: {  	s9 =	sor.u32 $0xD0000000, s2;
	s6 =	simm.s32 $0x108;
	_ =	swait.ge @!p0 [sflag:s8], $0x0  }
0x24: {  	s3 =	sadd.s32 $0x88, s3;
	s6 =	simm.s32 @!p1 $0x1082;
	[sflag:s4] =	ssyncset.s32 $0xFFFFF086  }
0x25: {  	[simem:s6], [sflag:s4] =	dma.local [hbm:s3], $0xF7A  }
0x26: {  	[smem:$0x3F95] =	sst s1;
	(tag) =	ssettag s2;
	_ =	strace s9  }
0x27: {  	s1 =	sld [smem:$0x3FA5]  }
0x28: {  	s2 =	sld [smem:$0x3FA6]  }
0x29: {  	s4 =	sld [smem:$0x3FA8]  }
0x2a: {  	p0 =	seq.s32 s5, $0x0;
	s5 =	sld [smem:$0x3FA9]  }
0x2b: {  	s6 =	sld [smem:$0x3FAA]  }
0x2c: {  	s7 =	sld [smem:$0x3FAB]  }
0x2d: {  	s3 =	simm.s32 $0x108;
	s8 =	sld [smem:$0x3FAC]  }
0x2e: {  	s3 =	simm.s32 @!p0 $0x1082;
	s9 =	sld [smem:$0x3FAD]  }
0x2f: {  	lr =	sadd.s32 s0, s3;
	s0 =	sld [smem:$0x3FA4]  }
0x30: {  	s3 =	sld [smem:$0x3FA7]  }
0x31: {  	[smem:$0x3FB0] =	sst s10  }
0x32: {  	s10 =	sld [smem:$0x3FAE];
	_ =	sdelay $0x3  }
0x33: {  	p0 =	seq.s32 s10, $0x1;
	s10 =	sld [smem:$0x3FB0];
	_ =	sdelay $0x3  }
0x34: {  	[smem:$0x3FB0] =	sst s10  }
0x35: {  	s10 =	sld [smem:$0x3FAF];
	_ =	sdelay $0x3  }
0x36: {  	p1 =	seq.s32 s10, $0x1;
	s10 =	sld [smem:$0x3FB0];
	_ =	sdelay $0x3  }
0x37: {  	[smem:$0x3FB0] =	sst s10  }
0x38: {  	s10 =	sld [smem:$0x3FB1]  }
0x39: {  	_ = 	snop;
	(pc) =	sbr.ind lr, $3  }
0x3a: {  	_ = 	snop  }
0x3b: {  	_ = 	snop  }
0x3c: {  	p2 =	seq.s32 s10, $0x1;
	s10 =	sld [smem:$0x3FB0]  }
0x3d: {  	_ =	shalt  }
0x3e: {  	_ =	shalt  }
0x3f: {  	_ =	shalt  }
0x40: {  	_ =	shalt  }
0x41: {  	_ =	shalt  }
0x42: {  	_ =	shalt  }
0x43: {  	_ =	shalt  }
0x44: {  	_ =	shalt  }
0x45: {  	_ =	shalt  }
0x46: {  	_ =	shalt  }
0x47: {  	_ =	shalt  }
0x48: {  	_ =	shalt  }
0x49: {  	_ =	shalt  }
0x4a: {  	_ =	shalt  }
0x4b: {  	_ =	shalt  }
0x4c: {  	_ =	shalt  }
0x4d: {  	_ =	shalt  }
0x4e: {  	_ =	shalt  }
0x4f: {  	_ =	shalt  }
0x50: {  	_ =	shalt  }
0x51: {  	_ =	shalt  }
0x52: {  	_ =	shalt  }
0x53: {  	_ =	shalt  }
0x54: {  	_ =	shalt  }
0x55: {  	_ =	shalt  }
0x56: {  	_ =	shalt  }
0x57: {  	_ =	shalt  }
0x58: {  	_ =	shalt  }
0x59: {  	_ =	shalt  }
0x5a: {  	_ =	shalt  }
0x5b: {  	_ =	shalt  }
0x5c: {  	_ =	shalt  }
0x5d: {  	_ =	shalt  }
0x5e: {  	_ =	shalt  }
0x5f: {  	_ =	shalt  }
0x60: {  	_ =	shalt  }
0x61: {  	_ =	shalt  }
0x62: {  	_ =	shalt  }
0x63: {  	_ =	shalt  }
0x64: {  	_ =	shalt  }
0x65: {  	_ =	shalt  }
0x66: {  	_ =	shalt  }
0x67: {  	_ =	shalt  }
0x68: {  	_ =	shalt  }
0x69: {  	_ =	shalt  }
0x6a: {  	_ =	shalt  }
0x6b: {  	_ =	shalt  }
0x6c: {  	_ =	shalt  }
0x6d: {  	_ =	shalt  }
0x6e: {  	_ =	shalt  }
0x6f: {  	_ =	shalt  }
0x70: {  	_ =	shalt  }
0x71: {  	_ =	shalt  }
0x72: {  	_ =	shalt  }
0x73: {  	_ =	shalt  }
0x74: {  	_ =	shalt  }
0x75: {  	_ =	shalt  }
0x76: {  	_ =	shalt  }
0x77: {  	_ =	shalt  }
0x78: {  	_ =	shalt  }
0x79: {  	_ =	shalt  }
0x7a: {  	_ =	shalt  }
0x7b: {  	_ =	shalt  }
0x7c: {  	_ =	shalt  }
0x7d: {  	_ =	shalt  }
0x7e: {  	_ =	shalt  }
0x7f: {  	_ =	shalt  }
0x80: {  	_ =	shalt  }
0x81: {  	_ =	shalt  }
0x82: {  	_ =	shalt  }
0x83: {  	_ =	shalt  }
0x84: {  	_ =	shalt  }
0x85: {  	_ =	shalt  }
0x86: {  	_ =	shalt  }
0x87: {  	_ =	shalt  }
.Lfunc_end0:
.L_simem_size_0:
called_computation_lowered:
.L_overlay_start_0:
0x88: {  	s2 =	sld [smem:$0x3FD9]  }
0x89: {  	s3 =	sld [smem:$0x3FFE];
	_ =	sdelay $0x1  }
0x8a: {  	s1 =	srdreg.scid  }
0x8b: {  	s0 =	sand.u32 $0x1, s1  }
0x8c: {  	s17 =	sshll.u32 s0, $0xA;
	s2 =	sadd.s32 s3, s2  }
0x8d: {  	s2 =	sadd.s32 s2, s17  }
0x8e: {  	[smem:$0x3FBC] =	sst s2  }
0x8f: {  	_ = 	snop  }
0x90: {  	s2 =	sld [smem:$0x3FC8]  }
0x91: {  	s18 =	sld [smem:$0x3FD0];
	(tm) =	ssettm $0x1  }
0x92: {  	s4 =	sld [smem:$0x3FFB];
	_ =	sdelay $0x3  }
0x93: {  	_ =	strace s4  }
0x94: {  	s4 =	sld [smem:$0x3FFC];
	_ =	sdelay $0x3  }
0x95: {  	_ =	strace s4  }
0x96: {  	s4 =	sld [smem:$0x3FFD];
	_ =	sdelay $0x3  }
0x97: {  	_ =	strace s4  }
0x98: {  	_ =	strace $0x8FFFFFFF  }
0x99: {  	s19 =	sld [smem:$0x3FDB];
	_ =	sdelay $0x1  }
0x9a: {  	s5 =	simm.s32 $_scs_section_size  }
0x9b: {  	s6 =	simm.s32 $_size__tile_overlayer_lowered;
	s7 =	simm.s32 $_tile_overlayer_lowered  }
0x9c: {  	s22 =	simm.s32 $0x1BFF;
	s21 =	sshll.u32 s7, $0x1;
	s4 =	sadd.s32 s5, s19  }
0x9d: {  	s8 =	simm.s32 $0x0;
	s20 =	sshll.u32 s6, $0x1;
	s6 =	sadd.s32 s21, s4  }
0x9e: {  	[timem:s8], [sflag:s22] =	dma.local [hbm:s6], s20  }
0x9f: {  	_ =	swait.ge [sflag:s22], s20  }
0xa0: {  	s5 =	ssub.s32 $0x0, s20;
	[sflag:s22] =	ssyncset.done $0x0  }
0xa1: {  	[sflag:s22] =	ssyncadd.s32 s5;
	_ =	sdelay $0x1  }
0xa2: {  	s23 =	simm.s32 $0x1B8B  }
0xa3: {  	_ =	swait.ge [sflag:s23], $0x1  }
0xa4: {  	[sflag:s23] =	ssyncset.done $0x0  }
0xa5: {  	s25 =	simm.s32 $0x1B8E;
	s24 =	sld [smem:$0x3FFE];
	[sflag:s23] =	ssyncadd.s32 $0xFFFFFFFF  }
0xa6: {  	s26 =	simm.s32 $execute0_lowered;
	[smem:$0x3FD2] =	sst s25  }
0xa7: {  	s6 =	sshll.u32 s26, $0x1;
	_ =	strace $0x80000046;
	[dreg:$0x1] =	wrdreg $0xFFFFFFFF  }
0xa8: {  	s28 =	simm.s32 $_size_execute0_lowered;
	s4 =	sadd.s32 s4, s6;
	[dreg:$0x0] =	wrdreg $0x0  }
0xa9: {  	s6 =	sshll.u32 s28, $0x1;
	[dreg:$0x2] =	wrdreg s4  }
0xaa: {  	[dreg:$0x3] =	wrdreg s6  }
0xab: {  	[dreg:$0x4] =	wrdreg $0xC0  }
0xac: {  	_ =	task [dreg:s8], $0x5FFFF  }
0xad: {  	[dreg:$0x1] =	wrdreg $0xFFFFFFFF  }
0xae: {  	[dreg:$0x0] =	wrdreg $0x60  }
0xaf: {  	[dreg:$0x2] =	wrdreg s2  }
0xb0: {  	[dreg:$0x3] =	wrdreg s24  }
0xb1: {  	[dreg:$0x4] =	wrdreg s18  }
0xb2: {  	[dreg:$0x5] =	wrdreg $0x41800  }
0xb3: {  	[dreg:$0x6] =	wrdreg $0x9  }
0xb4: {  	_ =	task.clear_ibuf [dreg:s8], $0x7FFFF;
	_ =	strace $0x90000046  }
0xb5: {  	s29 =	simm.s32 $0x9;
	_ =	strace $0x80000048  }
0xb6: {  	_ =	swait.ge [sflag:s29], $0x1  }
0xb7: {  	[sflag:s29] =	ssyncadd.s32 $0xFFFFFFFF  }
0xb8: {  	_ =	strace $0x90000048  }
0xb9: {  	_ =	sfence  }
0xba: {  	s30 =	sld [smem:$0x0];
	_ =	sdelay $0x2  }
0xbb: {  	s31 =	sshll.u32 s1, $0xD;
	s1 =	sshrl.u32 s1, $0x2  }
0xbc: {  	s3 =	sand.u32 $0x4000, s31;
	s1 =	sadd.s32 s1, s30  }
0xbd: {  	s0 =	sor.u32 s3, s0;
	s1 =	sshll.u32 s1, $0x11  }
0xbe: {  	s0 =	sor.u32 s1, s0  }
0xbf: {  	s0 =	sadd.s32 $0x8F2B, s0  }
0xc0: {  	[sflag:s0] =	ssyncadd.remote.s32 $0x1  }
0xc1: {  	_ =	sfence.sel $0xFFFF  }
0xc2: {  	[dreg:$0x0] =	wrdreg $0xFFFFFFFF;
	(pc) =	sbr.abs _section_cstart, $3  }
0xc3: {  	[dreg:$0x1] =	wrdreg $0xFFFFFFFF  }
0xc4: {  	_ =	task.clear_ibuf [dreg:s8], $0x2FFFF;
	_ =	strace $0x9FFFFFFF  }
0xc5: {  	(tm) =	ssettm $0x7FFFFFFF  }
tec
execute0_lowered:
.L_overlay_start_1:
0x0: {  	(tag) =	ssettag $0x1  }
0x1: {  	s10 =	rddreg [dreg:$0x0]  }
0x2: {  	s6 =	rddreg [dreg:$0x1]  }
0x3: {  	s1 =	rddreg [dreg:$0x2]  }
0x4: {  	s2 =	rddreg [dreg:$0x3];
	s3 =	srdreg.scid  }
0x5: {  	s0 =	rddreg [dreg:$0x4];
	s7 =	sand.u32 $0x1, s3  }
0x6: {  	s4 =	simm.s32 $0x0;
	s3 =	stileid.u32;
	s5 =	smul.u32 $0xA0000, s7  }
0x7: {  	s13 =	simm.s32 $0x80;
	s14 =	simm.s32 $0x180;
	s8 =	smul.u32 $0xA000, s3  }
0x8: {  	s15 =	simm.s32 $0x1;
	[smem:$0x7FF] =	sst s4;
	s11 =	smul.u32 $0x29000, s3  }
0x9: {  	s18 =	simm.s32 $0x0;
	_ =	strace $0x80000047;
	s29 =	smul.u32 $0x28000, s3  }
0xa: {  	s9 =	ssub.s32 $0x2, s7;
	s28 =	sshll.u32 s3, $0x6;
	s16 =	smul.u32 $0x1400, s7  }
0xb: {  	s30 =	ssub.s32 $0x9D3, s3;
	s31 =	sshll.u32 s3, $0x5;
	s12 =	sshrl.u32 s9, $0x1  }
0xc: {  	s7 =	sshrl.u32 s30, $0x4;
	s10 =	sadd.s32 s31, s10;
	s8 =	sadd.s32 s8, s5  }
0xd: {  	s5 =	sadd.s32 $0x2400, s6;
	s9 =	ssub.s32 s9, s12;
	s26 =	sshrl.u32 s11, $0x2  }
0xe: {  	s12 =	sshrl.u32 s29, $0x2;
	v0 =	vmov s16;
	s16 =	simm.s32 $0x100;
	s8 =	sshrl.u32 s8, $0x3  }
0xf: {  	s11 =	sadd.s32 s26, s2;
	s17 =	sadd.s32 s12, s2;
	s9 =	smax.u32 s9, $0x1  }
0x10: {  	s12 =	simm.s32 $0x2;
	s8 =	sadd.s32 s8, s6;
	s6 =	sor.u32 $0x1C02, s28  }
0x11: {  	s11 =	sshrl.u32 s11, $0x3;
	s17 =	sshrl.u32 s17, $0x3;
	s8 =	sadd.s32 $0x2A400, s8  }
.LBB2_1:
0x12: {  	[spmem:s11], [sflag:s6] =	dma.local [hbm:s1], $0x1480  }
0x13: {  	_ =	swait.ge [sflag:s12], $0x1480  }
0x14: {  	[sflag:s12] =	ssyncset.done $0x0  }
0x15: {  	[sflag:s12] =	ssyncadd.s32 $0xFFFFEB80  }
0x16: {  	[bflag:$0x0] =	sbarrier.arrive $0xFFFF  }
0x17: {  	[tilespmem:s4], [sflag:$0x2] =	stream.linear.gather [hbm4b:s10+s4], $0x100, $0x38;
	[tilespmem:$0xE580] =	vst v63  }
0x18: {  	_ =	swait.ge [sflag:s12], $0x100  }
0x19: {  	[sflag:s12] =	ssyncset.done $0x0  }
0x1a: {  	[sflag:s12] =	ssyncadd.s32 $0xFFFFFF00  }
0x1b: {  	[tilespmem:s14], [sflag:$0x1] =	stream.indirect.gather [hbm4b:s5+s13], $0x80, s4, s13, $0xb8;
	[tilespmem:$0xE580] =	vst v63  }
0x1c: {  	v1 =	vld [tilespmem:$0xF0]  }
0x1d: {  	v2 =	vld [tilespmem:$0xE0]  }
0x1e: {  	v3 =	vld [tilespmem:$0xB0]  }
0x1f: {  	v4 =	vld [tilespmem:$0xA0]  }
0x20: {  	v5 =	vld [tilespmem:$0x90]  }
0x21: {  	v6 =	vld [tilespmem:$0xC0];
	v1 =	vsub.s32 v1, v0  }
0x22: {  	v7 =	vld [tilespmem:$0x80];
	v2 =	vsub.s32 v2, v0;
	v1 =	vmin.u32 v1, $0x1400  }
0x23: {  	v8 =	vld [tilespmem:$0xD0];
	v3 =	vsub.s32 v3, v0;
	v2 =	vmin.u32 v2, $0x1400;
	[tilespmem:$0x170] =	vst v1  }
0x24: {  	p0 =	sne.s32 s7, $0x1;
	v3 =	vmin.u32 v3, $0x1400;
	v1 =	vsub.s32 v4, v0;
	[tilespmem:$0x160] =	vst v2  }
.Ltmp0:
0x25: {  	v2 =	vsub.s32 v5, v0;
	[tilespmem:$0x130] =	vst v3;
	v1 =	vmin.u32 v1, $0x1400;
	(pc) =	sbr.rel @!p0 .LBB2_3-.Ltmp0, $4  }
0x26: {  	v2 =	vmin.u32 v2, $0x1400;
	[tilespmem:$0x120] =	vst v1;
	v1 =	vsub.s32 v6, v0  }
0x27: {  	v3 =	vsub.s32 v7, v0;
	[tilespmem:$0x110] =	vst v2;
	v1 =	vmin.u32 v1, $0x1400  }
0x28: {  	v2 =	vmin.u32 v3, $0x1400;
	[tilespmem:$0x140] =	vst v1;
	v1 =	vsub.s32 v8, v0  }
0x29: {  	s19 =	sadd.s32 $0xFFFFFFFF, s7;
	s20 =	smov.u32 s10;
	[tilespmem:$0x100] =	vst v2;
	v1 =	vmin.u32 v1, $0x1400  }
.LBB2_2:
0x2a: {  	p0 =	sne.s32 s19, $0x1;
	s19 =	sadd.s32 $0xFFFFFFFF, s19;
	[tilespmem:$0x150] =	vst v1;
	s20 =	sadd.s32 $0x200, s20  }
0x2b: {  	_ =	swait.ge [sflag:s15], $0x4000  }
0x2c: {  	[sflag:s15] =	ssyncset.done $0x0  }
0x2d: {  	[sflag:s15] =	ssyncadd.s32 $0xFFFFC000  }
0x2e: {  	[spmem:s2] =	stream.indirect.scatter.add.f32 [tilespmem:s14], [sflag:$0x2], $0x80, s16, s13, $0xb8;
	[tilespmem:$0xE580] =	vst v63  }
0x2f: {  	_ =	swait.ge [sflag:s12], $0x4000  }
0x30: {  	[sflag:s12] =	ssyncset.done $0x0  }
0x31: {  	[sflag:s12] =	ssyncadd.s32 $0xFFFFC000  }
0x32: {  	[tilespmem:s4], [sflag:$0x2] =	stream.linear.gather [hbm4b:s20+s4], $0x100, $0x38;
	[tilespmem:$0xE580] =	vst v63  }
0x33: {  	_ =	swait.ge [sflag:s12], $0x100  }
0x34: {  	[sflag:s12] =	ssyncset.done $0x0  }
0x35: {  	[sflag:s12] =	ssyncadd.s32 $0xFFFFFF00  }
0x36: {  	[tilespmem:s14], [sflag:$0x1] =	stream.indirect.gather [hbm4b:s5+s13], $0x80, s4, s13, $0xb8;
	[tilespmem:$0xE580] =	vst v63  }
0x37: {  	v1 =	vld [tilespmem:$0xF0]  }
0x38: {  	v2 =	vld [tilespmem:$0xE0]  }
0x39: {  	v3 =	vld [tilespmem:$0xB0]  }
0x3a: {  	v4 =	vld [tilespmem:$0xA0]  }
0x3b: {  	v5 =	vld [tilespmem:$0x90]  }
0x3c: {  	v6 =	vld [tilespmem:$0xC0];
	v1 =	vsub.s32 v1, v0  }
0x3d: {  	v7 =	vld [tilespmem:$0x80];
	v2 =	vsub.s32 v2, v0;
	v1 =	vmin.u32 v1, $0x1400  }
0x3e: {  	v3 =	vsub.s32 v3, v0;
	v8 =	vld [tilespmem:$0xD0];
	v2 =	vmin.u32 v2, $0x1400;
	[tilespmem:$0x170] =	vst v1  }
0x3f: {  	v1 =	vsub.s32 v4, v0;
	v3 =	vmin.u32 v3, $0x1400;
	[tilespmem:$0x160] =	vst v2  }
.Ltmp1:
0x40: {  	v2 =	vsub.s32 v5, v0;
	v1 =	vmin.u32 v1, $0x1400;
	[tilespmem:$0x130] =	vst v3;
	(pc) =	sbr.rel @p0 .LBB2_2-.Ltmp1, $4  }
0x41: {  	v2 =	vmin.u32 v2, $0x1400;
	[tilespmem:$0x120] =	vst v1;
	v1 =	vsub.s32 v6, v0  }
0x42: {  	v3 =	vsub.s32 v7, v0;
	[tilespmem:$0x110] =	vst v2;
	v1 =	vmin.u32 v1, $0x1400  }
0x43: {  	v2 =	vmin.u32 v3, $0x1400;
	[tilespmem:$0x140] =	vst v1;
	v1 =	vsub.s32 v8, v0  }
0x44: {  	[tilespmem:$0x100] =	vst v2;
	v1 =	vmin.u32 v1, $0x1400  }
.LBB2_3:
0x45: {  	[tilespmem:$0x150] =	vst v1  }
0x46: {  	_ =	swait.ge [sflag:s15], $0x4000  }
0x47: {  	[sflag:s15] =	ssyncset.done $0x0  }
0x48: {  	[sflag:s15] =	ssyncadd.s32 $0xFFFFC000  }
0x49: {  	[spmem:s2] =	stream.indirect.scatter.add.f32 [tilespmem:s14], [sflag:$0x2], $0x80, s16, s13, $0xb8;
	[tilespmem:$0xE580] =	vst v63  }
0x4a: {  	_ =	swait.ge [sflag:s12], $0x4000  }
0x4b: {  	s18 =	sadd.s32 $0x1, s18;
	[sflag:s12] =	ssyncset.done $0x0  }
0x4c: {  	p0 =	sne.s32 s18, s9;
	[sflag:s12] =	ssyncadd.s32 $0xFFFFC000  }
.Ltmp2:
0x4d: {  	[bflag:$0x0] =	sbarrier.arrive $0xFFFF;
	(pc) =	sbr.rel @p0 .LBB2_1-.Ltmp2, $4  }
0x4e: {  	[hbm:s8], [sflag:s6] =	dma.local [spmem:s17], $0x1400  }
0x4f: {  	_ =	swait.ge [sflag:s12], $0x1400  }
0x50: {  	[sflag:s12] =	ssyncset.done $0x0  }
0x51: {  	[sflag:s12] =	ssyncadd.s32 $0xFFFFEC00  }
0x52: {  	_ =	sfence.sel $0x180000  }
0x53: {  	[bflag:$0x0] =	sbarrier.arrive $0xFFFF  }
0x54: {  	p0 =	sne.s32 s3, $0x0;
	_ =	strace $0x90000047  }
0x55: {  	s0 =	sadd.s32 @!p0 $0x100000, s0;
	[bflag:$0x2] =	sbarrier.arrive $0xFFFF  }
0x56: {  	[sflag:s0] =	ssyncadd.tile.s32 @!p0 $0x1;
	_ =	shalt  }
.Lfunc_end2:
_tile_overlayer_lowered:
.L_overlay_start_2:
0x57: {  	(tag) =	ssettag $0x2  }
0x58: {  	s0 =	rddreg [dreg:$0x0];
	s2 =	stileid.u32  }
0x59: {  	s1 =	rddreg [dreg:$0x1];
	p0 =	sne.s32 s2, $0x0  }
0x5a: {  	s3 =	rddreg [dreg:$0x2];
	[bflag:$0x3] =	sbarrier.arrive $0xFFFF;
	s2 =	simm.s32 @!p0 $0x1C02  }
0x5b: {  	[timem:s3], [sflag:s2] =	dma.local @!p0 [hbm:s0], s1  }
0x5c: {  	s0 =	simm.s32 @!p0 $0x2  }
0x5d: {  	_ =	swait.ge @!p0 [sflag:s0], s1  }
0x5e: {  	s1 =	ssub.s32 @!p0 $0x0, s1;
	[sflag:s0] =	ssyncset.done @!p0 $0x0  }
0x5f: {  	[sflag:s0] =	ssyncadd.s32 @!p0 s1  }
0x60: {  	[bflag:$0x3] =	sbarrier.arrive $0xFFFF  }
0x61: {  	_ =	shalt  }

</sc_bundles>
